<compile_context>
chip_gen: v7x
topology: tpu7x:2x2x1
jax: 0.10.2.dev20260603
libtpu: 0.0.44.dev20260713+nightly
codegen_flags: <defaults>
</compile_context>

<pallas_src>
import functools

import jax
import jax.numpy as jnp
from jax import lax
from jax.experimental import pallas as pl
from jax.experimental.pallas import tpu as pltpu
from jax.experimental.pallas import tpu_sc as plsc

_B, _L, _D = 4096, 200, 128
_NC, _NS = 2, 16
_NW = _NC * _NS
_K = 8
_R = 8
_B_STREAM = 3328
_B_SHARED = _B - _B_STREAM
_BPW_S = _B_STREAM // _NW
_BPW_H = _B_SHARED // _NW


@functools.partial(
    pl.kernel,
    mesh=plsc.VectorSubcoreMesh(core_axis_name="c", subcore_axis_name="s"),
    out_type=jax.ShapeDtypeStruct((_B, _L, _D), jnp.float32),
    scratch_types=[
        pltpu.VMEM((_L, _D), jnp.float32),
        pltpu.VMEM_SHARED((_R, _L, _D), jnp.float32),
        pltpu.SemaphoreType.DMA,
        pltpu.SemaphoreType.DMA,
    ],
)
def _sc_broadcast2(table_hbm, out_hbm, tab_v, tab_sh, sem, sem2):
    sid = lax.axis_index("s")
    wid = sid * _NC + lax.axis_index("c")
    pltpu.sync_copy(table_hbm.at[pl.ds(0, _L)], tab_v)

    @pl.when(sid == 0)
    def _stage_shared():
        for r in range(_R):
            pltpu.make_async_copy(
                table_hbm.at[pl.ds(0, _L)], tab_sh.at[r], sem2
            ).start()
        for r in range(_R):
            pltpu.make_async_copy(
                table_hbm.at[pl.ds(0, _L)], tab_sh.at[r], sem2
            ).wait()

    plsc.subcore_barrier()

    hbase = _B_STREAM + wid * _BPW_H
    for t in range(_BPW_H // _R):
        pltpu.make_async_copy(
            tab_sh, out_hbm.at[pl.ds(hbase + t * _R, _R)], sem2
        ).start()

    base = wid * _BPW_S

    def chunk(j, c):
        row = base + j * _K
        for t in range(_K):
            pltpu.make_async_copy(tab_v, out_hbm.at[row + t], sem).start()
        for t in range(_K):
            pltpu.make_async_copy(tab_v, out_hbm.at[row + t], sem).wait()
        return c

    lax.fori_loop(0, _BPW_S // _K, chunk, 0)

    for t in range(_BPW_H // _R):
        pltpu.make_async_copy(
            tab_sh, out_hbm.at[pl.ds(hbase + t * _R, _R)], sem2
        ).wait()


def kernel(sequence, table):
    return _sc_broadcast2(table)

# --- scband reference (transcript-rebuilt; emitter-appended) ---
"""Pipeline reference for scband-positional-embedding-42760694399631 (READ-ONLY COPY).

The authoritative reference and input builder live on the scoring server;
editing this copy changes nothing except your own understanding.
"""

import jax, jax.numpy as jnp
import numpy as np

B = 4096
L = 200
MAX_SEQ = 2048
D = 128

def setup_inputs(seed: int = 0) -> dict:
    key = jax.random.key(seed)
    k1, k2 = jax.random.split(key)
    # sequence values are never read, only its shape matters; still build realistic ids
    sequence = jax.random.randint(k1, (B, L), 0, 1000, dtype=jnp.int32)
    # learned positional embedding table per init_kwargs
    table = jax.random.normal(k2, (MAX_SEQ, D), dtype=jnp.float32) * 0.02
    return {"sequence": sequence, "table": table}

def reference(sequence, table):
    b, l = sequence.shape
    # positions = zeros(sequence.shape); positions[:, :] = arange(l)
    positions = jnp.broadcast_to(jnp.arange(l, dtype=jnp.int32), (b, l))
    # nn.Embedding lookup -> gather rows from table
    positional_embeddings = jnp.take(table, positions, axis=0)
    return positional_embeddings

if __name__ == "__main__":
    import jax
    _d = setup_inputs()
    print(jax.jit(kernel)(*tuple(_d.values())))

</pallas_src>

<mosaic_0001>
#map = affine_map<(d0, d1) -> (0, 0)>
#map1 = affine_map<(d0, d1) -> (0, 0, 0)>
module attributes {stable_mosaic.version = 14 : i64} {
  func.func @_sc_broadcast2(%arg0: i32, %arg1: i32, %arg2: memref<2048x128xf32, #tpu.memory_space<hbm>>, %arg3: memref<4096x200x128xf32, #tpu.memory_space<hbm>>, %arg4: memref<200x128xf32, #tpu.memory_space<vmem>>, %arg5: memref<8x200x128xf32, #tpu.memory_space<vmem_shared>>, %arg6: memref<!tpu.dma_semaphore, #tpu.memory_space<semaphore_mem>>, %arg7: memref<!tpu.dma_semaphore, #tpu.memory_space<semaphore_mem>>) attributes {dimension_semantics = [#tpu.dimension_semantics<core_parallel>, #tpu.dimension_semantics<subcore_parallel>], iteration_bounds = array<i64: 2, 16>, scalar_prefetch = 0 : i64, scratch_operands = 4 : i64, tpu.core_type = #tpu.core_type<sc_vector_subcore>, window_params = [{transform_indices = #map}, {transform_indices = #map1}]} {
    %mul3A = arith.constant 2 : i32
    %mul3A_0 = arith.muli %arg1, %mul3A : i32
    %add3A = arith.addi %mul3A_0, %arg0 : i32
    "tpu.region"() ({
      %run_scoped3A = tpu.sem_alloc : memref<!tpu.dma_semaphore, #tpu.memory_space<semaphore_mem>>
      %dma_start3A_42 = arith.constant 0 : i32
      %dma_start3A_43 = arith.constant 0 : i32
      %dma_start3A_44 = tpu.memref_slice %arg2[%dma_start3A_42, %dma_start3A_43] : memref<2048x128xf32, #tpu.memory_space<hbm>> -> memref<200x128xf32, #tpu.memory_space<hbm>>
      %dma_start3A_45 = arith.constant 0 : i32
      %dma_start3A_46 = arith.constant 0 : i32
      %dma_start3A_47 = tpu.memref_slice %arg2[%dma_start3A_45, %dma_start3A_46] : memref<2048x128xf32, #tpu.memory_space<hbm>> -> memref<200x128xf32, #tpu.memory_space<hbm>>
      tpu.enqueue_dma source(%dma_start3A_47 : memref<200x128xf32, #tpu.memory_space<hbm>>) target(%arg4 : memref<200x128xf32, #tpu.memory_space<vmem>>) target_semaphore(%run_scoped3A : memref<!tpu.dma_semaphore, #tpu.memory_space<semaphore_mem>>)
      %dma_wait3A_48 = arith.constant 0 : i32
      %dma_wait3A_49 = arith.constant 0 : i32
      %dma_wait3A_50 = tpu.memref_slice %arg2[%dma_wait3A_48, %dma_wait3A_49] : memref<2048x128xf32, #tpu.memory_space<hbm>> -> memref<200x128xf32, #tpu.memory_space<hbm>>
      %dma_wait3A_51 = arith.constant 0 : i32
      %dma_wait3A_52 = arith.constant 0 : i32
      %dma_wait3A_53 = tpu.memref_slice %arg2[%dma_wait3A_51, %dma_wait3A_52] : memref<2048x128xf32, #tpu.memory_space<hbm>> -> memref<200x128xf32, #tpu.memory_space<hbm>>
      tpu.wait_dma2 semaphore(%run_scoped3A : memref<!tpu.dma_semaphore, #tpu.memory_space<semaphore_mem>>) src(%dma_wait3A_53 : memref<200x128xf32, #tpu.memory_space<hbm>>) dst(%arg4 : memref<200x128xf32, #tpu.memory_space<vmem>>)
      tpu.yield
    }) : () -> ()
    %eq3A = arith.constant 0 : i32
    %eq3A_1 = arith.cmpi eq, %arg1, %eq3A : i32
    %convert_element_type3A = arith.extui %eq3A_1 : i1 to i32
    %cond3A = arith.constant 0 : i32
    %cond3A_2 = arith.cmpi ne, %convert_element_type3A, %cond3A : i32
    scf.if %cond3A_2 {
      %dma_start3A_42 = arith.constant 0 : i32
      %dma_start3A_43 = arith.constant 0 : i32
      %dma_start3A_44 = arith.constant 0 : i32
      %dma_start3A_45 = tpu.memref_slice %arg5[%dma_start3A_42, %dma_start3A_43, %dma_start3A_44] : memref<8x200x128xf32, #tpu.memory_space<vmem_shared>> -> memref<1x200x128xf32, #tpu.memory_space<vmem_shared>>
      %dma_start3A_46 = tpu.memref_squeeze %dma_start3A_45 : memref<1x200x128xf32, #tpu.memory_space<vmem_shared>> -> memref<200x128xf32, #tpu.memory_space<vmem_shared>>
      %dma_start3A_47 = arith.constant 0 : i32
      %dma_start3A_48 = arith.constant 0 : i32
      %dma_start3A_49 = tpu.memref_slice %arg2[%dma_start3A_47, %dma_start3A_48] : memref<2048x128xf32, #tpu.memory_space<hbm>> -> memref<200x128xf32, #tpu.memory_space<hbm>>
      tpu.enqueue_dma source(%dma_start3A_49 : memref<200x128xf32, #tpu.memory_space<hbm>>) target(%dma_start3A_46 : memref<200x128xf32, #tpu.memory_space<vmem_shared>>) target_semaphore(%arg7 : memref<!tpu.dma_semaphore, #tpu.memory_space<semaphore_mem>>)
      %dma_start3A_50 = arith.constant 1 : i32
      %dma_start3A_51 = arith.constant 0 : i32
      %dma_start3A_52 = arith.constant 0 : i32
      %dma_start3A_53 = tpu.memref_slice %arg5[%dma_start3A_50, %dma_start3A_51, %dma_start3A_52] : memref<8x200x128xf32, #tpu.memory_space<vmem_shared>> -> memref<1x200x128xf32, #tpu.memory_space<vmem_shared>>
      %dma_start3A_54 = tpu.memref_squeeze %dma_start3A_53 : memref<1x200x128xf32, #tpu.memory_space<vmem_shared>> -> memref<200x128xf32, #tpu.memory_space<vmem_shared>>
      %dma_start3A_55 = arith.constant 0 : i32
      %dma_start3A_56 = arith.constant 0 : i32
      %dma_start3A_57 = tpu.memref_slice %arg2[%dma_start3A_55, %dma_start3A_56] : memref<2048x128xf32, #tpu.memory_space<hbm>> -> memref<200x128xf32, #tpu.memory_space<hbm>>
      tpu.enqueue_dma source(%dma_start3A_57 : memref<200x128xf32, #tpu.memory_space<hbm>>) target(%dma_start3A_54 : memref<200x128xf32, #tpu.memory_space<vmem_shared>>) target_semaphore(%arg7 : memref<!tpu.dma_semaphore, #tpu.memory_space<semaphore_mem>>)
      %dma_start3A_58 = arith.constant 2 : i32
      %dma_start3A_59 = arith.constant 0 : i32
      %dma_start3A_60 = arith.constant 0 : i32
      %dma_start3A_61 = tpu.memref_slice %arg5[%dma_start3A_58, %dma_start3A_59, %dma_start3A_60] : memref<8x200x128xf32, #tpu.memory_space<vmem_shared>> -> memref<1x200x128xf32, #tpu.memory_space<vmem_shared>>
      %dma_start3A_62 = tpu.memref_squeeze %dma_start3A_61 : memref<1x200x128xf32, #tpu.memory_space<vmem_shared>> -> memref<200x128xf32, #tpu.memory_space<vmem_shared>>
      %dma_start3A_63 = arith.constant 0 : i32
      %dma_start3A_64 = arith.constant 0 : i32
      %dma_start3A_65 = tpu.memref_slice %arg2[%dma_start3A_63, %dma_start3A_64] : memref<2048x128xf32, #tpu.memory_space<hbm>> -> memref<200x128xf32, #tpu.memory_space<hbm>>
      tpu.enqueue_dma source(%dma_start3A_65 : memref<200x128xf32, #tpu.memory_space<hbm>>) target(%dma_start3A_62 : memref<200x128xf32, #tpu.memory_space<vmem_shared>>) target_semaphore(%arg7 : memref<!tpu.dma_semaphore, #tpu.memory_space<semaphore_mem>>)
      %dma_start3A_66 = arith.constant 3 : i32
      %dma_start3A_67 = arith.constant 0 : i32
      %dma_start3A_68 = arith.constant 0 : i32
      %dma_start3A_69 = tpu.memref_slice %arg5[%dma_start3A_66, %dma_start3A_67, %dma_start3A_68] : memref<8x200x128xf32, #tpu.memory_space<vmem_shared>> -> memref<1x200x128xf32, #tpu.memory_space<vmem_shared>>
      %dma_start3A_70 = tpu.memref_squeeze %dma_start3A_69 : memref<1x200x128xf32, #tpu.memory_space<vmem_shared>> -> memref<200x128xf32, #tpu.memory_space<vmem_shared>>
      %dma_start3A_71 = arith.constant 0 : i32
      %dma_start3A_72 = arith.constant 0 : i32
      %dma_start3A_73 = tpu.memref_slice %arg2[%dma_start3A_71, %dma_start3A_72] : memref<2048x128xf32, #tpu.memory_space<hbm>> -> memref<200x128xf32, #tpu.memory_space<hbm>>
      tpu.enqueue_dma source(%dma_start3A_73 : memref<200x128xf32, #tpu.memory_space<hbm>>) target(%dma_start3A_70 : memref<200x128xf32, #tpu.memory_space<vmem_shared>>) target_semaphore(%arg7 : memref<!tpu.dma_semaphore, #tpu.memory_space<semaphore_mem>>)
      %dma_start3A_74 = arith.constant 4 : i32
      %dma_start3A_75 = arith.constant 0 : i32
      %dma_start3A_76 = arith.constant 0 : i32
      %dma_start3A_77 = tpu.memref_slice %arg5[%dma_start3A_74, %dma_start3A_75, %dma_start3A_76] : memref<8x200x128xf32, #tpu.memory_space<vmem_shared>> -> memref<1x200x128xf32, #tpu.memory_space<vmem_shared>>
      %dma_start3A_78 = tpu.memref_squeeze %dma_start3A_77 : memref<1x200x128xf32, #tpu.memory_space<vmem_shared>> -> memref<200x128xf32, #tpu.memory_space<vmem_shared>>
      %dma_start3A_79 = arith.constant 0 : i32
      %dma_start3A_80 = arith.constant 0 : i32
      %dma_start3A_81 = tpu.memref_slice %arg2[%dma_start3A_79, %dma_start3A_80] : memref<2048x128xf32, #tpu.memory_space<hbm>> -> memref<200x128xf32, #tpu.memory_space<hbm>>
      tpu.enqueue_dma source(%dma_start3A_81 : memref<200x128xf32, #tpu.memory_space<hbm>>) target(%dma_start3A_78 : memref<200x128xf32, #tpu.memory_space<vmem_shared>>) target_semaphore(%arg7 : memref<!tpu.dma_semaphore, #tpu.memory_space<semaphore_mem>>)
      %dma_start3A_82 = arith.constant 5 : i32
      %dma_start3A_83 = arith.constant 0 : i32
      %dma_start3A_84 = arith.constant 0 : i32
      %dma_start3A_85 = tpu.memref_slice %arg5[%dma_start3A_82, %dma_start3A_83, %dma_start3A_84] : memref<8x200x128xf32, #tpu.memory_space<vmem_shared>> -> memref<1x200x128xf32, #tpu.memory_space<vmem_shared>>
      %dma_start3A_86 = tpu.memref_squeeze %dma_start3A_85 : memref<1x200x128xf32, #tpu.memory_space<vmem_shared>> -> memref<200x128xf32, #tpu.memory_space<vmem_shared>>
      %dma_start3A_87 = arith.constant 0 : i32
      %dma_start3A_88 = arith.constant 0 : i32
      %dma_start3A_89 = tpu.memref_slice %arg2[%dma_start3A_87, %dma_start3A_88] : memref<2048x128xf32, #tpu.memory_space<hbm>> -> memref<200x128xf32, #tpu.memory_space<hbm>>
      tpu.enqueue_dma source(%dma_start3A_89 : memref<200x128xf32, #tpu.memory_space<hbm>>) target(%dma_start3A_86 : memref<200x128xf32, #tpu.memory_space<vmem_shared>>) target_semaphore(%arg7 : memref<!tpu.dma_semaphore, #tpu.memory_space<semaphore_mem>>)
      %dma_start3A_90 = arith.constant 6 : i32
      %dma_start3A_91 = arith.constant 0 : i32
      %dma_start3A_92 = arith.constant 0 : i32
      %dma_start3A_93 = tpu.memref_slice %arg5[%dma_start3A_90, %dma_start3A_91, %dma_start3A_92] : memref<8x200x128xf32, #tpu.memory_space<vmem_shared>> -> memref<1x200x128xf32, #tpu.memory_space<vmem_shared>>
      %dma_start3A_94 = tpu.memref_squeeze %dma_start3A_93 : memref<1x200x128xf32, #tpu.memory_space<vmem_shared>> -> memref<200x128xf32, #tpu.memory_space<vmem_shared>>
      %dma_start3A_95 = arith.constant 0 : i32
      %dma_start3A_96 = arith.constant 0 : i32
      %dma_start3A_97 = tpu.memref_slice %arg2[%dma_start3A_95, %dma_start3A_96] : memref<2048x128xf32, #tpu.memory_space<hbm>> -> memref<200x128xf32, #tpu.memory_space<hbm>>
      tpu.enqueue_dma source(%dma_start3A_97 : memref<200x128xf32, #tpu.memory_space<hbm>>) target(%dma_start3A_94 : memref<200x128xf32, #tpu.memory_space<vmem_shared>>) target_semaphore(%arg7 : memref<!tpu.dma_semaphore, #tpu.memory_space<semaphore_mem>>)
      %dma_start3A_98 = arith.constant 7 : i32
      %dma_start3A_99 = arith.constant 0 : i32
      %dma_start3A_100 = arith.constant 0 : i32
      %dma_start3A_101 = tpu.memref_slice %arg5[%dma_start3A_98, %dma_start3A_99, %dma_start3A_100] : memref<8x200x128xf32, #tpu.memory_space<vmem_shared>> -> memref<1x200x128xf32, #tpu.memory_space<vmem_shared>>
      %dma_start3A_102 = tpu.memref_squeeze %dma_start3A_101 : memref<1x200x128xf32, #tpu.memory_space<vmem_shared>> -> memref<200x128xf32, #tpu.memory_space<vmem_shared>>
      %dma_start3A_103 = arith.constant 0 : i32
      %dma_start3A_104 = arith.constant 0 : i32
      %dma_start3A_105 = tpu.memref_slice %arg2[%dma_start3A_103, %dma_start3A_104] : memref<2048x128xf32, #tpu.memory_space<hbm>> -> memref<200x128xf32, #tpu.memory_space<hbm>>
      tpu.enqueue_dma source(%dma_start3A_105 : memref<200x128xf32, #tpu.memory_space<hbm>>) target(%dma_start3A_102 : memref<200x128xf32, #tpu.memory_space<vmem_shared>>) target_semaphore(%arg7 : memref<!tpu.dma_semaphore, #tpu.memory_space<semaphore_mem>>)
      %dma_wait3A_106 = arith.constant 0 : i32
      %dma_wait3A_107 = arith.constant 0 : i32
      %dma_wait3A_108 = arith.constant 0 : i32
      %dma_wait3A_109 = tpu.memref_slice %arg5[%dma_wait3A_106, %dma_wait3A_107, %dma_wait3A_108] : memref<8x200x128xf32, #tpu.memory_space<vmem_shared>> -> memref<1x200x128xf32, #tpu.memory_space<vmem_shared>>
      %dma_wait3A_110 = tpu.memref_squeeze %dma_wait3A_109 : memref<1x200x128xf32, #tpu.memory_space<vmem_shared>> -> memref<200x128xf32, #tpu.memory_space<vmem_shared>>
      %dma_wait3A_111 = arith.constant 0 : i32
      %dma_wait3A_112 = arith.constant 0 : i32
      %dma_wait3A_113 = tpu.memref_slice %arg2[%dma_wait3A_111, %dma_wait3A_112] : memref<2048x128xf32, #tpu.memory_space<hbm>> -> memref<200x128xf32, #tpu.memory_space<hbm>>
      tpu.wait_dma2 semaphore(%arg7 : memref<!tpu.dma_semaphore, #tpu.memory_space<semaphore_mem>>) src(%dma_wait3A_113 : memref<200x128xf32, #tpu.memory_space<hbm>>) dst(%dma_wait3A_110 : memref<200x128xf32, #tpu.memory_space<vmem_shared>>)
      %dma_wait3A_114 = arith.constant 1 : i32
      %dma_wait3A_115 = arith.constant 0 : i32
      %dma_wait3A_116 = arith.constant 0 : i32
      %dma_wait3A_117 = tpu.memref_slice %arg5[%dma_wait3A_114, %dma_wait3A_115, %dma_wait3A_116] : memref<8x200x128xf32, #tpu.memory_space<vmem_shared>> -> memref<1x200x128xf32, #tpu.memory_space<vmem_shared>>
      %dma_wait3A_118 = tpu.memref_squeeze %dma_wait3A_117 : memref<1x200x128xf32, #tpu.memory_space<vmem_shared>> -> memref<200x128xf32, #tpu.memory_space<vmem_shared>>
      %dma_wait3A_119 = arith.constant 0 : i32
      %dma_wait3A_120 = arith.constant 0 : i32
      %dma_wait3A_121 = tpu.memref_slice %arg2[%dma_wait3A_119, %dma_wait3A_120] : memref<2048x128xf32, #tpu.memory_space<hbm>> -> memref<200x128xf32, #tpu.memory_space<hbm>>
      tpu.wait_dma2 semaphore(%arg7 : memref<!tpu.dma_semaphore, #tpu.memory_space<semaphore_mem>>) src(%dma_wait3A_121 : memref<200x128xf32, #tpu.memory_space<hbm>>) dst(%dma_wait3A_118 : memref<200x128xf32, #tpu.memory_space<vmem_shared>>)
      %dma_wait3A_122 = arith.constant 2 : i32
      %dma_wait3A_123 = arith.constant 0 : i32
      %dma_wait3A_124 = arith.constant 0 : i32
      %dma_wait3A_125 = tpu.memref_slice %arg5[%dma_wait3A_122, %dma_wait3A_123, %dma_wait3A_124] : memref<8x200x128xf32, #tpu.memory_space<vmem_shared>> -> memref<1x200x128xf32, #tpu.memory_space<vmem_shared>>
      %dma_wait3A_126 = tpu.memref_squeeze %dma_wait3A_125 : memref<1x200x128xf32, #tpu.memory_space<vmem_shared>> -> memref<200x128xf32, #tpu.memory_space<vmem_shared>>
      %dma_wait3A_127 = arith.constant 0 : i32
      %dma_wait3A_128 = arith.constant 0 : i32
      %dma_wait3A_129 = tpu.memref_slice %arg2[%dma_wait3A_127, %dma_wait3A_128] : memref<2048x128xf32, #tpu.memory_space<hbm>> -> memref<200x128xf32, #tpu.memory_space<hbm>>
      tpu.wait_dma2 semaphore(%arg7 : memref<!tpu.dma_semaphore, #tpu.memory_space<semaphore_mem>>) src(%dma_wait3A_129 : memref<200x128xf32, #tpu.memory_space<hbm>>) dst(%dma_wait3A_126 : memref<200x128xf32, #tpu.memory_space<vmem_shared>>)
      %dma_wait3A_130 = arith.constant 3 : i32
      %dma_wait3A_131 = arith.constant 0 : i32
      %dma_wait3A_132 = arith.constant 0 : i32
      %dma_wait3A_133 = tpu.memref_slice %arg5[%dma_wait3A_130, %dma_wait3A_131, %dma_wait3A_132] : memref<8x200x128xf32, #tpu.memory_space<vmem_shared>> -> memref<1x200x128xf32, #tpu.memory_space<vmem_shared>>
      %dma_wait3A_134 = tpu.memref_squeeze %dma_wait3A_133 : memref<1x200x128xf32, #tpu.memory_space<vmem_shared>> -> memref<200x128xf32, #tpu.memory_space<vmem_shared>>
      %dma_wait3A_135 = arith.constant 0 : i32
      %dma_wait3A_136 = arith.constant 0 : i32
      %dma_wait3A_137 = tpu.memref_slice %arg2[%dma_wait3A_135, %dma_wait3A_136] : memref<2048x128xf32, #tpu.memory_space<hbm>> -> memref<200x128xf32, #tpu.memory_space<hbm>>
      tpu.wait_dma2 semaphore(%arg7 : memref<!tpu.dma_semaphore, #tpu.memory_space<semaphore_mem>>) src(%dma_wait3A_137 : memref<200x128xf32, #tpu.memory_space<hbm>>) dst(%dma_wait3A_134 : memref<200x128xf32, #tpu.memory_space<vmem_shared>>)
      %dma_wait3A_138 = arith.constant 4 : i32
      %dma_wait3A_139 = arith.constant 0 : i32
      %dma_wait3A_140 = arith.constant 0 : i32
      %dma_wait3A_141 = tpu.memref_slice %arg5[%dma_wait3A_138, %dma_wait3A_139, %dma_wait3A_140] : memref<8x200x128xf32, #tpu.memory_space<vmem_shared>> -> memref<1x200x128xf32, #tpu.memory_space<vmem_shared>>
      %dma_wait3A_142 = tpu.memref_squeeze %dma_wait3A_141 : memref<1x200x128xf32, #tpu.memory_space<vmem_shared>> -> memref<200x128xf32, #tpu.memory_space<vmem_shared>>
      %dma_wait3A_143 = arith.constant 0 : i32
      %dma_wait3A_144 = arith.constant 0 : i32
      %dma_wait3A_145 = tpu.memref_slice %arg2[%dma_wait3A_143, %dma_wait3A_144] : memref<2048x128xf32, #tpu.memory_space<hbm>> -> memref<200x128xf32, #tpu.memory_space<hbm>>
      tpu.wait_dma2 semaphore(%arg7 : memref<!tpu.dma_semaphore, #tpu.memory_space<semaphore_mem>>) src(%dma_wait3A_145 : memref<200x128xf32, #tpu.memory_space<hbm>>) dst(%dma_wait3A_142 : memref<200x128xf32, #tpu.memory_space<vmem_shared>>)
      %dma_wait3A_146 = arith.constant 5 : i32
      %dma_wait3A_147 = arith.constant 0 : i32
      %dma_wait3A_148 = arith.constant 0 : i32
      %dma_wait3A_149 = tpu.memref_slice %arg5[%dma_wait3A_146, %dma_wait3A_147, %dma_wait3A_148] : memref<8x200x128xf32, #tpu.memory_space<vmem_shared>> -> memref<1x200x128xf32, #tpu.memory_space<vmem_shared>>
      %dma_wait3A_150 = tpu.memref_squeeze %dma_wait3A_149 : memref<1x200x128xf32, #tpu.memory_space<vmem_shared>> -> memref<200x128xf32, #tpu.memory_space<vmem_shared>>
      %dma_wait3A_151 = arith.constant 0 : i32
      %dma_wait3A_152 = arith.constant 0 : i32
      %dma_wait3A_153 = tpu.memref_slice %arg2[%dma_wait3A_151, %dma_wait3A_152] : memref<2048x128xf32, #tpu.memory_space<hbm>> -> memref<200x128xf32, #tpu.memory_space<hbm>>
      tpu.wait_dma2 semaphore(%arg7 : memref<!tpu.dma_semaphore, #tpu.memory_space<semaphore_mem>>) src(%dma_wait3A_153 : memref<200x128xf32, #tpu.memory_space<hbm>>) dst(%dma_wait3A_150 : memref<200x128xf32, #tpu.memory_space<vmem_shared>>)
      %dma_wait3A_154 = arith.constant 6 : i32
      %dma_wait3A_155 = arith.constant 0 : i32
      %dma_wait3A_156 = arith.constant 0 : i32
      %dma_wait3A_157 = tpu.memref_slice %arg5[%dma_wait3A_154, %dma_wait3A_155, %dma_wait3A_156] : memref<8x200x128xf32, #tpu.memory_space<vmem_shared>> -> memref<1x200x128xf32, #tpu.memory_space<vmem_shared>>
      %dma_wait3A_158 = tpu.memref_squeeze %dma_wait3A_157 : memref<1x200x128xf32, #tpu.memory_space<vmem_shared>> -> memref<200x128xf32, #tpu.memory_space<vmem_shared>>
      %dma_wait3A_159 = arith.constant 0 : i32
      %dma_wait3A_160 = arith.constant 0 : i32
      %dma_wait3A_161 = tpu.memref_slice %arg2[%dma_wait3A_159, %dma_wait3A_160] : memref<2048x128xf32, #tpu.memory_space<hbm>> -> memref<200x128xf32, #tpu.memory_space<hbm>>
      tpu.wait_dma2 semaphore(%arg7 : memref<!tpu.dma_semaphore, #tpu.memory_space<semaphore_mem>>) src(%dma_wait3A_161 : memref<200x128xf32, #tpu.memory_space<hbm>>) dst(%dma_wait3A_158 : memref<200x128xf32, #tpu.memory_space<vmem_shared>>)
      %dma_wait3A_162 = arith.constant 7 : i32
      %dma_wait3A_163 = arith.constant 0 : i32
      %dma_wait3A_164 = arith.constant 0 : i32
      %dma_wait3A_165 = tpu.memref_slice %arg5[%dma_wait3A_162, %dma_wait3A_163, %dma_wait3A_164] : memref<8x200x128xf32, #tpu.memory_space<vmem_shared>> -> memref<1x200x128xf32, #tpu.memory_space<vmem_shared>>
      %dma_wait3A_166 = tpu.memref_squeeze %dma_wait3A_165 : memref<1x200x128xf32, #tpu.memory_space<vmem_shared>> -> memref<200x128xf32, #tpu.memory_space<vmem_shared>>
      %dma_wait3A_167 = arith.constant 0 : i32
      %dma_wait3A_168 = arith.constant 0 : i32
      %dma_wait3A_169 = tpu.memref_slice %arg2[%dma_wait3A_167, %dma_wait3A_168] : memref<2048x128xf32, #tpu.memory_space<hbm>> -> memref<200x128xf32, #tpu.memory_space<hbm>>
      tpu.wait_dma2 semaphore(%arg7 : memref<!tpu.dma_semaphore, #tpu.memory_space<semaphore_mem>>) src(%dma_wait3A_169 : memref<200x128xf32, #tpu.memory_space<hbm>>) dst(%dma_wait3A_166 : memref<200x128xf32, #tpu.memory_space<vmem_shared>>)
    } else {
    }
    %barrier3A = arith.constant 0 : index
    tpu.barrier barrier_id(%barrier3A)
    %mul3A_3 = arith.constant 24 : i32
    %mul3A_4 = arith.muli %add3A, %mul3A_3 : i32
    %add3A_5 = arith.constant 3328 : i32
    %add3A_6 = arith.addi %add3A_5, %mul3A_4 : i32
    %add3A_7 = arith.constant 0 : i32
    %add3A_8 = arith.addi %add3A_6, %add3A_7 : i32
    %dma_start3A = arith.constant 0 : i32
    %dma_start3A_9 = arith.constant 0 : i32
    %dma_start3A_10 = tpu.memref_slice %arg3[%add3A_8, %dma_start3A, %dma_start3A_9] : memref<4096x200x128xf32, #tpu.memory_space<hbm>> -> memref<8x200x128xf32, #tpu.memory_space<hbm>>
    tpu.enqueue_dma source(%arg5 : memref<8x200x128xf32, #tpu.memory_space<vmem_shared>>) target(%dma_start3A_10 : memref<8x200x128xf32, #tpu.memory_space<hbm>>) target_semaphore(%arg7 : memref<!tpu.dma_semaphore, #tpu.memory_space<semaphore_mem>>)
    %add3A_11 = arith.constant 8 : i32
    %add3A_12 = arith.addi %add3A_6, %add3A_11 : i32
    %dma_start3A_13 = arith.constant 0 : i32
    %dma_start3A_14 = arith.constant 0 : i32
    %dma_start3A_15 = tpu.memref_slice %arg3[%add3A_12, %dma_start3A_13, %dma_start3A_14] : memref<4096x200x128xf32, #tpu.memory_space<hbm>> -> memref<8x200x128xf32, #tpu.memory_space<hbm>>
    tpu.enqueue_dma source(%arg5 : memref<8x200x128xf32, #tpu.memory_space<vmem_shared>>) target(%dma_start3A_15 : memref<8x200x128xf32, #tpu.memory_space<hbm>>) target_semaphore(%arg7 : memref<!tpu.dma_semaphore, #tpu.memory_space<semaphore_mem>>)
    %add3A_16 = arith.constant 16 : i32
    %add3A_17 = arith.addi %add3A_6, %add3A_16 : i32
    %dma_start3A_18 = arith.constant 0 : i32
    %dma_start3A_19 = arith.constant 0 : i32
    %dma_start3A_20 = tpu.memref_slice %arg3[%add3A_17, %dma_start3A_18, %dma_start3A_19] : memref<4096x200x128xf32, #tpu.memory_space<hbm>> -> memref<8x200x128xf32, #tpu.memory_space<hbm>>
    tpu.enqueue_dma source(%arg5 : memref<8x200x128xf32, #tpu.memory_space<vmem_shared>>) target(%dma_start3A_20 : memref<8x200x128xf32, #tpu.memory_space<hbm>>) target_semaphore(%arg7 : memref<!tpu.dma_semaphore, #tpu.memory_space<semaphore_mem>>)
    %mul3A_21 = arith.constant 104 : i32
    %mul3A_22 = arith.muli %add3A, %mul3A_21 : i32
    %scan3A = arith.constant 0 : i32
    %scan3A_23 = arith.constant 0 : i32
    %scan3A_24 = arith.constant 13 : i32
    %scan3A_25 = arith.addi %scan3A_23, %scan3A_24 : i32
    %scan3A_26 = arith.constant 1 : i32
    scf.for %scan3A_42 = %scan3A_23 to %scan3A_25 step %scan3A_26  : i32 {
      %mul3A_43 = arith.constant 8 : i32
      %mul3A_44 = arith.muli %scan3A_42, %mul3A_43 : i32
      %add3A_45 = arith.addi %mul3A_22, %mul3A_44 : i32
      %add3A_46 = arith.constant 0 : i32
      %add3A_47 = arith.addi %add3A_45, %add3A_46 : i32
      %dma_start3A_48 = arith.constant 0 : i32
      %dma_start3A_49 = arith.constant 0 : i32
      %dma_start3A_50 = tpu.memref_slice %arg3[%add3A_47, %dma_start3A_48, %dma_start3A_49] : memref<4096x200x128xf32, #tpu.memory_space<hbm>> -> memref<1x200x128xf32, #tpu.memory_space<hbm>>
      %dma_start3A_51 = tpu.memref_squeeze %dma_start3A_50 : memref<1x200x128xf32, #tpu.memory_space<hbm>> -> memref<200x128xf32, #tpu.memory_space<hbm>>
      %dma_start3A_52 = arith.constant 0 : i32
      %dma_start3A_53 = arith.constant 0 : i32
      %dma_start3A_54 = tpu.memref_slice %arg3[%add3A_47, %dma_start3A_52, %dma_start3A_53] : memref<4096x200x128xf32, #tpu.memory_space<hbm>> -> memref<1x200x128xf32, #tpu.memory_space<hbm>>
      %dma_start3A_55 = tpu.memref_squeeze %dma_start3A_54 : memref<1x200x128xf32, #tpu.memory_space<hbm>> -> memref<200x128xf32, #tpu.memory_space<hbm>>
      tpu.enqueue_dma source(%arg4 : memref<200x128xf32, #tpu.memory_space<vmem>>) target(%dma_start3A_55 : memref<200x128xf32, #tpu.memory_space<hbm>>) target_semaphore(%arg6 : memref<!tpu.dma_semaphore, #tpu.memory_space<semaphore_mem>>)
      %add3A_56 = arith.constant 1 : i32
      %add3A_57 = arith.addi %add3A_45, %add3A_56 : i32
      %dma_start3A_58 = arith.constant 0 : i32
      %dma_start3A_59 = arith.constant 0 : i32
      %dma_start3A_60 = tpu.memref_slice %arg3[%add3A_57, %dma_start3A_58, %dma_start3A_59] : memref<4096x200x128xf32, #tpu.memory_space<hbm>> -> memref<1x200x128xf32, #tpu.memory_space<hbm>>
      %dma_start3A_61 = tpu.memref_squeeze %dma_start3A_60 : memref<1x200x128xf32, #tpu.memory_space<hbm>> -> memref<200x128xf32, #tpu.memory_space<hbm>>
      %dma_start3A_62 = arith.constant 0 : i32
      %dma_start3A_63 = arith.constant 0 : i32
      %dma_start3A_64 = tpu.memref_slice %arg3[%add3A_57, %dma_start3A_62, %dma_start3A_63] : memref<4096x200x128xf32, #tpu.memory_space<hbm>> -> memref<1x200x128xf32, #tpu.memory_space<hbm>>
      %dma_start3A_65 = tpu.memref_squeeze %dma_start3A_64 : memref<1x200x128xf32, #tpu.memory_space<hbm>> -> memref<200x128xf32, #tpu.memory_space<hbm>>
      tpu.enqueue_dma source(%arg4 : memref<200x128xf32, #tpu.memory_space<vmem>>) target(%dma_start3A_65 : memref<200x128xf32, #tpu.memory_space<hbm>>) target_semaphore(%arg6 : memref<!tpu.dma_semaphore, #tpu.memory_space<semaphore_mem>>)
      %add3A_66 = arith.constant 2 : i32
      %add3A_67 = arith.addi %add3A_45, %add3A_66 : i32
      %dma_start3A_68 = arith.constant 0 : i32
      %dma_start3A_69 = arith.constant 0 : i32
      %dma_start3A_70 = tpu.memref_slice %arg3[%add3A_67, %dma_start3A_68, %dma_start3A_69] : memref<4096x200x128xf32, #tpu.memory_space<hbm>> -> memref<1x200x128xf32, #tpu.memory_space<hbm>>
      %dma_start3A_71 = tpu.memref_squeeze %dma_start3A_70 : memref<1x200x128xf32, #tpu.memory_space<hbm>> -> memref<200x128xf32, #tpu.memory_space<hbm>>
      %dma_start3A_72 = arith.constant 0 : i32
      %dma_start3A_73 = arith.constant 0 : i32
      %dma_start3A_74 = tpu.memref_slice %arg3[%add3A_67, %dma_start3A_72, %dma_start3A_73] : memref<4096x200x128xf32, #tpu.memory_space<hbm>> -> memref<1x200x128xf32, #tpu.memory_space<hbm>>
      %dma_start3A_75 = tpu.memref_squeeze %dma_start3A_74 : memref<1x200x128xf32, #tpu.memory_space<hbm>> -> memref<200x128xf32, #tpu.memory_space<hbm>>
      tpu.enqueue_dma source(%arg4 : memref<200x128xf32, #tpu.memory_space<vmem>>) target(%dma_start3A_75 : memref<200x128xf32, #tpu.memory_space<hbm>>) target_semaphore(%arg6 : memref<!tpu.dma_semaphore, #tpu.memory_space<semaphore_mem>>)
      %add3A_76 = arith.constant 3 : i32
      %add3A_77 = arith.addi %add3A_45, %add3A_76 : i32
      %dma_start3A_78 = arith.constant 0 : i32
      %dma_start3A_79 = arith.constant 0 : i32
      %dma_start3A_80 = tpu.memref_slice %arg3[%add3A_77, %dma_start3A_78, %dma_start3A_79] : memref<4096x200x128xf32, #tpu.memory_space<hbm>> -> memref<1x200x128xf32, #tpu.memory_space<hbm>>
      %dma_start3A_81 = tpu.memref_squeeze %dma_start3A_80 : memref<1x200x128xf32, #tpu.memory_space<hbm>> -> memref<200x128xf32, #tpu.memory_space<hbm>>
      %dma_start3A_82 = arith.constant 0 : i32
      %dma_start3A_83 = arith.constant 0 : i32
      %dma_start3A_84 = tpu.memref_slice %arg3[%add3A_77, %dma_start3A_82, %dma_start3A_83] : memref<4096x200x128xf32, #tpu.memory_space<hbm>> -> memref<1x200x128xf32, #tpu.memory_space<hbm>>
      %dma_start3A_85 = tpu.memref_squeeze %dma_start3A_84 : memref<1x200x128xf32, #tpu.memory_space<hbm>> -> memref<200x128xf32, #tpu.memory_space<hbm>>
      tpu.enqueue_dma source(%arg4 : memref<200x128xf32, #tpu.memory_space<vmem>>) target(%dma_start3A_85 : memref<200x128xf32, #tpu.memory_space<hbm>>) target_semaphore(%arg6 : memref<!tpu.dma_semaphore, #tpu.memory_space<semaphore_mem>>)
      %add3A_86 = arith.constant 4 : i32
      %add3A_87 = arith.addi %add3A_45, %add3A_86 : i32
      %dma_start3A_88 = arith.constant 0 : i32
      %dma_start3A_89 = arith.constant 0 : i32
      %dma_start3A_90 = tpu.memref_slice %arg3[%add3A_87, %dma_start3A_88, %dma_start3A_89] : memref<4096x200x128xf32, #tpu.memory_space<hbm>> -> memref<1x200x128xf32, #tpu.memory_space<hbm>>
      %dma_start3A_91 = tpu.memref_squeeze %dma_start3A_90 : memref<1x200x128xf32, #tpu.memory_space<hbm>> -> memref<200x128xf32, #tpu.memory_space<hbm>>
      %dma_start3A_92 = arith.constant 0 : i32
      %dma_start3A_93 = arith.constant 0 : i32
      %dma_start3A_94 = tpu.memref_slice %arg3[%add3A_87, %dma_start3A_92, %dma_start3A_93] : memref<4096x200x128xf32, #tpu.memory_space<hbm>> -> memref<1x200x128xf32, #tpu.memory_space<hbm>>
      %dma_start3A_95 = tpu.memref_squeeze %dma_start3A_94 : memref<1x200x128xf32, #tpu.memory_space<hbm>> -> memref<200x128xf32, #tpu.memory_space<hbm>>
      tpu.enqueue_dma source(%arg4 : memref<200x128xf32, #tpu.memory_space<vmem>>) target(%dma_start3A_95 : memref<200x128xf32, #tpu.memory_space<hbm>>) target_semaphore(%arg6 : memref<!tpu.dma_semaphore, #tpu.memory_space<semaphore_mem>>)
      %add3A_96 = arith.constant 5 : i32
      %add3A_97 = arith.addi %add3A_45, %add3A_96 : i32
      %dma_start3A_98 = arith.constant 0 : i32
      %dma_start3A_99 = arith.constant 0 : i32
      %dma_start3A_100 = tpu.memref_slice %arg3[%add3A_97, %dma_start3A_98, %dma_start3A_99] : memref<4096x200x128xf32, #tpu.memory_space<hbm>> -> memref<1x200x128xf32, #tpu.memory_space<hbm>>
      %dma_start3A_101 = tpu.memref_squeeze %dma_start3A_100 : memref<1x200x128xf32, #tpu.memory_space<hbm>> -> memref<200x128xf32, #tpu.memory_space<hbm>>
      %dma_start3A_102 = arith.constant 0 : i32
      %dma_start3A_103 = arith.constant 0 : i32
      %dma_start3A_104 = tpu.memref_slice %arg3[%add3A_97, %dma_start3A_102, %dma_start3A_103] : memref<4096x200x128xf32, #tpu.memory_space<hbm>> -> memref<1x200x128xf32, #tpu.memory_space<hbm>>
      %dma_start3A_105 = tpu.memref_squeeze %dma_start3A_104 : memref<1x200x128xf32, #tpu.memory_space<hbm>> -> memref<200x128xf32, #tpu.memory_space<hbm>>
      tpu.enqueue_dma source(%arg4 : memref<200x128xf32, #tpu.memory_space<vmem>>) target(%dma_start3A_105 : memref<200x128xf32, #tpu.memory_space<hbm>>) target_semaphore(%arg6 : memref<!tpu.dma_semaphore, #tpu.memory_space<semaphore_mem>>)
      %add3A_106 = arith.constant 6 : i32
      %add3A_107 = arith.addi %add3A_45, %add3A_106 : i32
      %dma_start3A_108 = arith.constant 0 : i32
      %dma_start3A_109 = arith.constant 0 : i32
      %dma_start3A_110 = tpu.memref_slice %arg3[%add3A_107, %dma_start3A_108, %dma_start3A_109] : memref<4096x200x128xf32, #tpu.memory_space<hbm>> -> memref<1x200x128xf32, #tpu.memory_space<hbm>>
      %dma_start3A_111 = tpu.memref_squeeze %dma_start3A_110 : memref<1x200x128xf32, #tpu.memory_space<hbm>> -> memref<200x128xf32, #tpu.memory_space<hbm>>
      %dma_start3A_112 = arith.constant 0 : i32
      %dma_start3A_113 = arith.constant 0 : i32
      %dma_start3A_114 = tpu.memref_slice %arg3[%add3A_107, %dma_start3A_112, %dma_start3A_113] : memref<4096x200x128xf32, #tpu.memory_space<hbm>> -> memref<1x200x128xf32, #tpu.memory_space<hbm>>
      %dma_start3A_115 = tpu.memref_squeeze %dma_start3A_114 : memref<1x200x128xf32, #tpu.memory_space<hbm>> -> memref<200x128xf32, #tpu.memory_space<hbm>>
      tpu.enqueue_dma source(%arg4 : memref<200x128xf32, #tpu.memory_space<vmem>>) target(%dma_start3A_115 : memref<200x128xf32, #tpu.memory_space<hbm>>) target_semaphore(%arg6 : memref<!tpu.dma_semaphore, #tpu.memory_space<semaphore_mem>>)
      %add3A_116 = arith.constant 7 : i32
      %add3A_117 = arith.addi %add3A_45, %add3A_116 : i32
      %dma_start3A_118 = arith.constant 0 : i32
      %dma_start3A_119 = arith.constant 0 : i32
      %dma_start3A_120 = tpu.memref_slice %arg3[%add3A_117, %dma_start3A_118, %dma_start3A_119] : memref<4096x200x128xf32, #tpu.memory_space<hbm>> -> memref<1x200x128xf32, #tpu.memory_space<hbm>>
      %dma_start3A_121 = tpu.memref_squeeze %dma_start3A_120 : memref<1x200x128xf32, #tpu.memory_space<hbm>> -> memref<200x128xf32, #tpu.memory_space<hbm>>
      %dma_start3A_122 = arith.constant 0 : i32
      %dma_start3A_123 = arith.constant 0 : i32
      %dma_start3A_124 = tpu.memref_slice %arg3[%add3A_117, %dma_start3A_122, %dma_start3A_123] : memref<4096x200x128xf32, #tpu.memory_space<hbm>> -> memref<1x200x128xf32, #tpu.memory_space<hbm>>
      %dma_start3A_125 = tpu.memref_squeeze %dma_start3A_124 : memref<1x200x128xf32, #tpu.memory_space<hbm>> -> memref<200x128xf32, #tpu.memory_space<hbm>>
      tpu.enqueue_dma source(%arg4 : memref<200x128xf32, #tpu.memory_space<vmem>>) target(%dma_start3A_125 : memref<200x128xf32, #tpu.memory_space<hbm>>) target_semaphore(%arg6 : memref<!tpu.dma_semaphore, #tpu.memory_space<semaphore_mem>>)
      %add3A_126 = arith.constant 0 : i32
      %add3A_127 = arith.addi %add3A_45, %add3A_126 : i32
      %dma_wait3A_128 = arith.constant 0 : i32
      %dma_wait3A_129 = arith.constant 0 : i32
      %dma_wait3A_130 = tpu.memref_slice %arg3[%add3A_127, %dma_wait3A_128, %dma_wait3A_129] : memref<4096x200x128xf32, #tpu.memory_space<hbm>> -> memref<1x200x128xf32, #tpu.memory_space<hbm>>
      %dma_wait3A_131 = tpu.memref_squeeze %dma_wait3A_130 : memref<1x200x128xf32, #tpu.memory_space<hbm>> -> memref<200x128xf32, #tpu.memory_space<hbm>>
      %dma_wait3A_132 = arith.constant 0 : i32
      %dma_wait3A_133 = arith.constant 0 : i32
      %dma_wait3A_134 = tpu.memref_slice %arg3[%add3A_127, %dma_wait3A_132, %dma_wait3A_133] : memref<4096x200x128xf32, #tpu.memory_space<hbm>> -> memref<1x200x128xf32, #tpu.memory_space<hbm>>
      %dma_wait3A_135 = tpu.memref_squeeze %dma_wait3A_134 : memref<1x200x128xf32, #tpu.memory_space<hbm>> -> memref<200x128xf32, #tpu.memory_space<hbm>>
      tpu.wait_dma2 semaphore(%arg6 : memref<!tpu.dma_semaphore, #tpu.memory_space<semaphore_mem>>) src(%arg4 : memref<200x128xf32, #tpu.memory_space<vmem>>) dst(%dma_wait3A_135 : memref<200x128xf32, #tpu.memory_space<hbm>>)
      %add3A_136 = arith.constant 1 : i32
      %add3A_137 = arith.addi %add3A_45, %add3A_136 : i32
      %dma_wait3A_138 = arith.constant 0 : i32
      %dma_wait3A_139 = arith.constant 0 : i32
      %dma_wait3A_140 = tpu.memref_slice %arg3[%add3A_137, %dma_wait3A_138, %dma_wait3A_139] : memref<4096x200x128xf32, #tpu.memory_space<hbm>> -> memref<1x200x128xf32, #tpu.memory_space<hbm>>
      %dma_wait3A_141 = tpu.memref_squeeze %dma_wait3A_140 : memref<1x200x128xf32, #tpu.memory_space<hbm>> -> memref<200x128xf32, #tpu.memory_space<hbm>>
      %dma_wait3A_142 = arith.constant 0 : i32
      %dma_wait3A_143 = arith.constant 0 : i32
      %dma_wait3A_144 = tpu.memref_slice %arg3[%add3A_137, %dma_wait3A_142, %dma_wait3A_143] : memref<4096x200x128xf32, #tpu.memory_space<hbm>> -> memref<1x200x128xf32, #tpu.memory_space<hbm>>
      %dma_wait3A_145 = tpu.memref_squeeze %dma_wait3A_144 : memref<1x200x128xf32, #tpu.memory_space<hbm>> -> memref<200x128xf32, #tpu.memory_space<hbm>>
      tpu.wait_dma2 semaphore(%arg6 : memref<!tpu.dma_semaphore, #tpu.memory_space<semaphore_mem>>) src(%arg4 : memref<200x128xf32, #tpu.memory_space<vmem>>) dst(%dma_wait3A_145 : memref<200x128xf32, #tpu.memory_space<hbm>>)
      %add3A_146 = arith.constant 2 : i32
      %add3A_147 = arith.addi %add3A_45, %add3A_146 : i32
      %dma_wait3A_148 = arith.constant 0 : i32
      %dma_wait3A_149 = arith.constant 0 : i32
      %dma_wait3A_150 = tpu.memref_slice %arg3[%add3A_147, %dma_wait3A_148, %dma_wait3A_149] : memref<4096x200x128xf32, #tpu.memory_space<hbm>> -> memref<1x200x128xf32, #tpu.memory_space<hbm>>
      %dma_wait3A_151 = tpu.memref_squeeze %dma_wait3A_150 : memref<1x200x128xf32, #tpu.memory_space<hbm>> -> memref<200x128xf32, #tpu.memory_space<hbm>>
      %dma_wait3A_152 = arith.constant 0 : i32
      %dma_wait3A_153 = arith.constant 0 : i32
      %dma_wait3A_154 = tpu.memref_slice %arg3[%add3A_147, %dma_wait3A_152, %dma_wait3A_153] : memref<4096x200x128xf32, #tpu.memory_space<hbm>> -> memref<1x200x128xf32, #tpu.memory_space<hbm>>
      %dma_wait3A_155 = tpu.memref_squeeze %dma_wait3A_154 : memref<1x200x128xf32, #tpu.memory_space<hbm>> -> memref<200x128xf32, #tpu.memory_space<hbm>>
      tpu.wait_dma2 semaphore(%arg6 : memref<!tpu.dma_semaphore, #tpu.memory_space<semaphore_mem>>) src(%arg4 : memref<200x128xf32, #tpu.memory_space<vmem>>) dst(%dma_wait3A_155 : memref<200x128xf32, #tpu.memory_space<hbm>>)
      %add3A_156 = arith.constant 3 : i32
      %add3A_157 = arith.addi %add3A_45, %add3A_156 : i32
      %dma_wait3A_158 = arith.constant 0 : i32
      %dma_wait3A_159 = arith.constant 0 : i32
      %dma_wait3A_160 = tpu.memref_slice %arg3[%add3A_157, %dma_wait3A_158, %dma_wait3A_159] : memref<4096x200x128xf32, #tpu.memory_space<hbm>> -> memref<1x200x128xf32, #tpu.memory_space<hbm>>
      %dma_wait3A_161 = tpu.memref_squeeze %dma_wait3A_160 : memref<1x200x128xf32, #tpu.memory_space<hbm>> -> memref<200x128xf32, #tpu.memory_space<hbm>>
      %dma_wait3A_162 = arith.constant 0 : i32
      %dma_wait3A_163 = arith.constant 0 : i32
      %dma_wait3A_164 = tpu.memref_slice %arg3[%add3A_157, %dma_wait3A_162, %dma_wait3A_163] : memref<4096x200x128xf32, #tpu.memory_space<hbm>> -> memref<1x200x128xf32, #tpu.memory_space<hbm>>
      %dma_wait3A_165 = tpu.memref_squeeze %dma_wait3A_164 : memref<1x200x128xf32, #tpu.memory_space<hbm>> -> memref<200x128xf32, #tpu.memory_space<hbm>>
      tpu.wait_dma2 semaphore(%arg6 : memref<!tpu.dma_semaphore, #tpu.memory_space<semaphore_mem>>) src(%arg4 : memref<200x128xf32, #tpu.memory_space<vmem>>) dst(%dma_wait3A_165 : memref<200x128xf32, #tpu.memory_space<hbm>>)
      %add3A_166 = arith.constant 4 : i32
      %add3A_167 = arith.addi %add3A_45, %add3A_166 : i32
      %dma_wait3A_168 = arith.constant 0 : i32
      %dma_wait3A_169 = arith.constant 0 : i32
      %dma_wait3A_170 = tpu.memref_slice %arg3[%add3A_167, %dma_wait3A_168, %dma_wait3A_169] : memref<4096x200x128xf32, #tpu.memory_space<hbm>> -> memref<1x200x128xf32, #tpu.memory_space<hbm>>
      %dma_wait3A_171 = tpu.memref_squeeze %dma_wait3A_170 : memref<1x200x128xf32, #tpu.memory_space<hbm>> -> memref<200x128xf32, #tpu.memory_space<hbm>>
      %dma_wait3A_172 = arith.constant 0 : i32
      %dma_wait3A_173 = arith.constant 0 : i32
      %dma_wait3A_174 = tpu.memref_slice %arg3[%add3A_167, %dma_wait3A_172, %dma_wait3A_173] : memref<4096x200x128xf32, #tpu.memory_space<hbm>> -> memref<1x200x128xf32, #tpu.memory_space<hbm>>
      %dma_wait3A_175 = tpu.memref_squeeze %dma_wait3A_174 : memref<1x200x128xf32, #tpu.memory_space<hbm>> -> memref<200x128xf32, #tpu.memory_space<hbm>>
      tpu.wait_dma2 semaphore(%arg6 : memref<!tpu.dma_semaphore, #tpu.memory_space<semaphore_mem>>) src(%arg4 : memref<200x128xf32, #tpu.memory_space<vmem>>) dst(%dma_wait3A_175 : memref<200x128xf32, #tpu.memory_space<hbm>>)
      %add3A_176 = arith.constant 5 : i32
      %add3A_177 = arith.addi %add3A_45, %add3A_176 : i32
      %dma_wait3A_178 = arith.constant 0 : i32
      %dma_wait3A_179 = arith.constant 0 : i32
      %dma_wait3A_180 = tpu.memref_slice %arg3[%add3A_177, %dma_wait3A_178, %dma_wait3A_179] : memref<4096x200x128xf32, #tpu.memory_space<hbm>> -> memref<1x200x128xf32, #tpu.memory_space<hbm>>
      %dma_wait3A_181 = tpu.memref_squeeze %dma_wait3A_180 : memref<1x200x128xf32, #tpu.memory_space<hbm>> -> memref<200x128xf32, #tpu.memory_space<hbm>>
      %dma_wait3A_182 = arith.constant 0 : i32
      %dma_wait3A_183 = arith.constant 0 : i32
      %dma_wait3A_184 = tpu.memref_slice %arg3[%add3A_177, %dma_wait3A_182, %dma_wait3A_183] : memref<4096x200x128xf32, #tpu.memory_space<hbm>> -> memref<1x200x128xf32, #tpu.memory_space<hbm>>
      %dma_wait3A_185 = tpu.memref_squeeze %dma_wait3A_184 : memref<1x200x128xf32, #tpu.memory_space<hbm>> -> memref<200x128xf32, #tpu.memory_space<hbm>>
      tpu.wait_dma2 semaphore(%arg6 : memref<!tpu.dma_semaphore, #tpu.memory_space<semaphore_mem>>) src(%arg4 : memref<200x128xf32, #tpu.memory_space<vmem>>) dst(%dma_wait3A_185 : memref<200x128xf32, #tpu.memory_space<hbm>>)
      %add3A_186 = arith.constant 6 : i32
      %add3A_187 = arith.addi %add3A_45, %add3A_186 : i32
      %dma_wait3A_188 = arith.constant 0 : i32
      %dma_wait3A_189 = arith.constant 0 : i32
      %dma_wait3A_190 = tpu.memref_slice %arg3[%add3A_187, %dma_wait3A_188, %dma_wait3A_189] : memref<4096x200x128xf32, #tpu.memory_space<hbm>> -> memref<1x200x128xf32, #tpu.memory_space<hbm>>
      %dma_wait3A_191 = tpu.memref_squeeze %dma_wait3A_190 : memref<1x200x128xf32, #tpu.memory_space<hbm>> -> memref<200x128xf32, #tpu.memory_space<hbm>>
      %dma_wait3A_192 = arith.constant 0 : i32
      %dma_wait3A_193 = arith.constant 0 : i32
      %dma_wait3A_194 = tpu.memref_slice %arg3[%add3A_187, %dma_wait3A_192, %dma_wait3A_193] : memref<4096x200x128xf32, #tpu.memory_space<hbm>> -> memref<1x200x128xf32, #tpu.memory_space<hbm>>
      %dma_wait3A_195 = tpu.memref_squeeze %dma_wait3A_194 : memref<1x200x128xf32, #tpu.memory_space<hbm>> -> memref<200x128xf32, #tpu.memory_space<hbm>>
      tpu.wait_dma2 semaphore(%arg6 : memref<!tpu.dma_semaphore, #tpu.memory_space<semaphore_mem>>) src(%arg4 : memref<200x128xf32, #tpu.memory_space<vmem>>) dst(%dma_wait3A_195 : memref<200x128xf32, #tpu.memory_space<hbm>>)
      %add3A_196 = arith.constant 7 : i32
      %add3A_197 = arith.addi %add3A_45, %add3A_196 : i32
      %dma_wait3A_198 = arith.constant 0 : i32
      %dma_wait3A_199 = arith.constant 0 : i32
      %dma_wait3A_200 = tpu.memref_slice %arg3[%add3A_197, %dma_wait3A_198, %dma_wait3A_199] : memref<4096x200x128xf32, #tpu.memory_space<hbm>> -> memref<1x200x128xf32, #tpu.memory_space<hbm>>
      %dma_wait3A_201 = tpu.memref_squeeze %dma_wait3A_200 : memref<1x200x128xf32, #tpu.memory_space<hbm>> -> memref<200x128xf32, #tpu.memory_space<hbm>>
      %dma_wait3A_202 = arith.constant 0 : i32
      %dma_wait3A_203 = arith.constant 0 : i32
      %dma_wait3A_204 = tpu.memref_slice %arg3[%add3A_197, %dma_wait3A_202, %dma_wait3A_203] : memref<4096x200x128xf32, #tpu.memory_space<hbm>> -> memref<1x200x128xf32, #tpu.memory_space<hbm>>
      %dma_wait3A_205 = tpu.memref_squeeze %dma_wait3A_204 : memref<1x200x128xf32, #tpu.memory_space<hbm>> -> memref<200x128xf32, #tpu.memory_space<hbm>>
      tpu.wait_dma2 semaphore(%arg6 : memref<!tpu.dma_semaphore, #tpu.memory_space<semaphore_mem>>) src(%arg4 : memref<200x128xf32, #tpu.memory_space<vmem>>) dst(%dma_wait3A_205 : memref<200x128xf32, #tpu.memory_space<hbm>>)
    }
    %scan3A_27 = arith.constant 13 : i32
    %add3A_28 = arith.constant 0 : i32
    %add3A_29 = arith.addi %add3A_6, %add3A_28 : i32
    %dma_wait3A = arith.constant 0 : i32
    %dma_wait3A_30 = arith.constant 0 : i32
    %dma_wait3A_31 = tpu.memref_slice %arg3[%add3A_29, %dma_wait3A, %dma_wait3A_30] : memref<4096x200x128xf32, #tpu.memory_space<hbm>> -> memref<8x200x128xf32, #tpu.memory_space<hbm>>
    tpu.wait_dma2 semaphore(%arg7 : memref<!tpu.dma_semaphore, #tpu.memory_space<semaphore_mem>>) src(%arg5 : memref<8x200x128xf32, #tpu.memory_space<vmem_shared>>) dst(%dma_wait3A_31 : memref<8x200x128xf32, #tpu.memory_space<hbm>>)
    %add3A_32 = arith.constant 8 : i32
    %add3A_33 = arith.addi %add3A_6, %add3A_32 : i32
    %dma_wait3A_34 = arith.constant 0 : i32
    %dma_wait3A_35 = arith.constant 0 : i32
    %dma_wait3A_36 = tpu.memref_slice %arg3[%add3A_33, %dma_wait3A_34, %dma_wait3A_35] : memref<4096x200x128xf32, #tpu.memory_space<hbm>> -> memref<8x200x128xf32, #tpu.memory_space<hbm>>
    tpu.wait_dma2 semaphore(%arg7 : memref<!tpu.dma_semaphore, #tpu.memory_space<semaphore_mem>>) src(%arg5 : memref<8x200x128xf32, #tpu.memory_space<vmem_shared>>) dst(%dma_wait3A_36 : memref<8x200x128xf32, #tpu.memory_space<hbm>>)
    %add3A_37 = arith.constant 16 : i32
    %add3A_38 = arith.addi %add3A_6, %add3A_37 : i32
    %dma_wait3A_39 = arith.constant 0 : i32
    %dma_wait3A_40 = arith.constant 0 : i32
    %dma_wait3A_41 = tpu.memref_slice %arg3[%add3A_38, %dma_wait3A_39, %dma_wait3A_40] : memref<4096x200x128xf32, #tpu.memory_space<hbm>> -> memref<8x200x128xf32, #tpu.memory_space<hbm>>
    tpu.wait_dma2 semaphore(%arg7 : memref<!tpu.dma_semaphore, #tpu.memory_space<semaphore_mem>>) src(%arg5 : memref<8x200x128xf32, #tpu.memory_space<vmem_shared>>) dst(%dma_wait3A_41 : memref<8x200x128xf32, #tpu.memory_space<hbm>>)
    return
  }
}

</mosaic_0001>

<sc_bundles>
// kernel: kernel.3.cloned.1.call-start
scs
__scs_entry_jumppad:
0x0: {  	(pc) =	sbr.rel $0x88, $3  }
0x1: {  	(tag) =	ssettag $0x0;
	lr =	simm.s32 $0x1  }
0x2: {  	[smem:$0x3FA0] =	sst lr;
	_ =	strace $0xD0000000  }
0x3: {  	_ = 	snop  }
0x4: {  	_ = 	snop  }
0x5: {  	_ = 	snop  }
0x6: {  	_ = 	snop  }
0x7: {  	_ = 	snop  }
__scs_overlays_trampoline_lowered:
0x8: {  	[smem:$0x3FAF] =	sst s0  }
0x9: {  	[smem:$0x3FB0] =	sst s1  }
0xa: {  	[smem:$0x3FB1] =	sst s2  }
0xb: {  	[smem:$0x3FB2] =	sst s3  }
0xc: {  	[smem:$0x3FB3] =	sst s4  }
0xd: {  	[smem:$0x3FB4] =	sst s5  }
0xe: {  	[smem:$0x3FB5] =	sst s6  }
0xf: {  	[smem:$0x3FB6] =	sst s7  }
0x10: {  	[smem:$0x3FB7] =	sst s8  }
0x11: {  	[smem:$0x3FB8] =	sst s9;
	s0 =	simm.s32 @!p0 $0x0  }
0x12: {  	s1 =	sld [smem:$0x3F9E];
	s0 =	simm.s32 @p0 $0x1  }
0x13: {  	[smem:$0x3FB9] =	sst s0;
	s0 =	simm.s32 @!p1 $0x0  }
0x14: {  	s2 =	sld [smem:$0x3F9D];
	s0 =	simm.s32 @p1 $0x1  }
0x15: {  	[smem:$0x3FBA] =	sst s0;
	s0 =	simm.s32 @!p2 $0x0  }
0x16: {  	s3 =	sld [smem:$0x3FDB];
	s0 =	simm.s32 @p2 $0x1  }
0x17: {  	s4 =	simm.s32 $0x1BF5;
	[smem:$0x3FBC] =	sst s0  }
0x18: {  	s0 =	sld [smem:$0x3F9F];
	_ =	swait.ge [sflag:s4], $0x0  }
0x19: {  	s7 =	sld [smem:$0x3FA0]  }
0x1a: {  	s8 =	sadd.s32 $0xFFFFE003, lr  }
0x1b: {  	s9 =	sadd.s32 $0xFFFFFEF7, lr;
	s5 =	simm.s32 $0xFFFFFFFF;
	p2 =	slt.u32 s8, $0xFFFFF086  }
0x1c: {  	p1 =	slt.u32 s9, $0xF7A;
	s5 =	simm.s32 @!p2 $0x0  }
0x1d: {  	s5 =	simm.s32 @p1 $0x1;
	p0 =	seq.s32 s7, s2  }
0x1e: {  	s7 =	smul.u32 @!p0 $0xF7A, s2;
	p2 =	seq.s32 @!p0 s5, $0x0  }
0x1f: {  	s9 =	smul.u32 $0xF7A, s1;
	s8 =	simm.s32 @!p0 $0x1BF5;
	p2 =	por !p2, p0  }
0x20: {  	[sflag:s8] =	ssyncset.s32 @!p0 $0xFFFFF086;
	s6 =	sadd.s32 @!p0 s3, s7;
	s7 =	simm.s32 @!p0 $0x108  }
0x21: {  	s3 =	sadd.s32 s3, s9;
	s6 =	sadd.s32 @!p0 $0x88, s6;
	s7 =	simm.s32 @p2 $0x1082  }
0x22: {  	[simem:s7], [sflag:s8] =	dma.local @!p0 [hbm:s6], $0xF7A  }
0x23: {  	s9 =	sor.u32 $0xD0000000, s2;
	s6 =	simm.s32 $0x108;
	_ =	swait.ge @!p0 [sflag:s8], $0x0  }
0x24: {  	s3 =	sadd.s32 $0x88, s3;
	s6 =	simm.s32 @!p1 $0x1082;
	[sflag:s4] =	ssyncset.s32 $0xFFFFF086  }
0x25: {  	[simem:s6], [sflag:s4] =	dma.local [hbm:s3], $0xF7A  }
0x26: {  	[smem:$0x3FA0] =	sst s1;
	(tag) =	ssettag s2;
	_ =	strace s9  }
0x27: {  	s1 =	sld [smem:$0x3FB0]  }
0x28: {  	s2 =	sld [smem:$0x3FB1]  }
0x29: {  	s4 =	sld [smem:$0x3FB3]  }
0x2a: {  	p0 =	seq.s32 s5, $0x0;
	s5 =	sld [smem:$0x3FB4]  }
0x2b: {  	s6 =	sld [smem:$0x3FB5]  }
0x2c: {  	s7 =	sld [smem:$0x3FB6]  }
0x2d: {  	s3 =	simm.s32 $0x108;
	s8 =	sld [smem:$0x3FB7]  }
0x2e: {  	s3 =	simm.s32 @!p0 $0x1082;
	s9 =	sld [smem:$0x3FB8]  }
0x2f: {  	lr =	sadd.s32 s0, s3;
	s0 =	sld [smem:$0x3FAF]  }
0x30: {  	s3 =	sld [smem:$0x3FB2]  }
0x31: {  	[smem:$0x3FBB] =	sst s10  }
0x32: {  	s10 =	sld [smem:$0x3FB9];
	_ =	sdelay $0x3  }
0x33: {  	p0 =	seq.s32 s10, $0x1;
	s10 =	sld [smem:$0x3FBB];
	_ =	sdelay $0x3  }
0x34: {  	[smem:$0x3FBB] =	sst s10  }
0x35: {  	s10 =	sld [smem:$0x3FBA];
	_ =	sdelay $0x3  }
0x36: {  	p1 =	seq.s32 s10, $0x1;
	s10 =	sld [smem:$0x3FBB];
	_ =	sdelay $0x3  }
0x37: {  	[smem:$0x3FBB] =	sst s10  }
0x38: {  	s10 =	sld [smem:$0x3FBC]  }
0x39: {  	_ = 	snop;
	(pc) =	sbr.ind lr, $3  }
0x3a: {  	_ = 	snop  }
0x3b: {  	_ = 	snop  }
0x3c: {  	p2 =	seq.s32 s10, $0x1;
	s10 =	sld [smem:$0x3FBB]  }
0x3d: {  	_ =	shalt  }
0x3e: {  	_ =	shalt  }
0x3f: {  	_ =	shalt  }
0x40: {  	_ =	shalt  }
0x41: {  	_ =	shalt  }
0x42: {  	_ =	shalt  }
0x43: {  	_ =	shalt  }
0x44: {  	_ =	shalt  }
0x45: {  	_ =	shalt  }
0x46: {  	_ =	shalt  }
0x47: {  	_ =	shalt  }
0x48: {  	_ =	shalt  }
0x49: {  	_ =	shalt  }
0x4a: {  	_ =	shalt  }
0x4b: {  	_ =	shalt  }
0x4c: {  	_ =	shalt  }
0x4d: {  	_ =	shalt  }
0x4e: {  	_ =	shalt  }
0x4f: {  	_ =	shalt  }
0x50: {  	_ =	shalt  }
0x51: {  	_ =	shalt  }
0x52: {  	_ =	shalt  }
0x53: {  	_ =	shalt  }
0x54: {  	_ =	shalt  }
0x55: {  	_ =	shalt  }
0x56: {  	_ =	shalt  }
0x57: {  	_ =	shalt  }
0x58: {  	_ =	shalt  }
0x59: {  	_ =	shalt  }
0x5a: {  	_ =	shalt  }
0x5b: {  	_ =	shalt  }
0x5c: {  	_ =	shalt  }
0x5d: {  	_ =	shalt  }
0x5e: {  	_ =	shalt  }
0x5f: {  	_ =	shalt  }
0x60: {  	_ =	shalt  }
0x61: {  	_ =	shalt  }
0x62: {  	_ =	shalt  }
0x63: {  	_ =	shalt  }
0x64: {  	_ =	shalt  }
0x65: {  	_ =	shalt  }
0x66: {  	_ =	shalt  }
0x67: {  	_ =	shalt  }
0x68: {  	_ =	shalt  }
0x69: {  	_ =	shalt  }
0x6a: {  	_ =	shalt  }
0x6b: {  	_ =	shalt  }
0x6c: {  	_ =	shalt  }
0x6d: {  	_ =	shalt  }
0x6e: {  	_ =	shalt  }
0x6f: {  	_ =	shalt  }
0x70: {  	_ =	shalt  }
0x71: {  	_ =	shalt  }
0x72: {  	_ =	shalt  }
0x73: {  	_ =	shalt  }
0x74: {  	_ =	shalt  }
0x75: {  	_ =	shalt  }
0x76: {  	_ =	shalt  }
0x77: {  	_ =	shalt  }
0x78: {  	_ =	shalt  }
0x79: {  	_ =	shalt  }
0x7a: {  	_ =	shalt  }
0x7b: {  	_ =	shalt  }
0x7c: {  	_ =	shalt  }
0x7d: {  	_ =	shalt  }
0x7e: {  	_ =	shalt  }
0x7f: {  	_ =	shalt  }
0x80: {  	_ =	shalt  }
0x81: {  	_ =	shalt  }
0x82: {  	_ =	shalt  }
0x83: {  	_ =	shalt  }
0x84: {  	_ =	shalt  }
0x85: {  	_ =	shalt  }
0x86: {  	_ =	shalt  }
0x87: {  	_ =	shalt  }
.Lfunc_end0:
.L_simem_size_0:
called_computation_lowered:
.L_overlay_start_0:
0x88: {  	s2 =	sld [smem:$0x3FD9]  }
0x89: {  	s3 =	sld [smem:$0x3FFE];
	_ =	sdelay $0x1  }
0x8a: {  	s1 =	srdreg.scid  }
0x8b: {  	s0 =	sand.u32 $0x1, s1  }
0x8c: {  	s18 =	sshll.u32 s0, $0xA;
	s2 =	sadd.s32 s3, s2  }
0x8d: {  	s2 =	sadd.s32 s2, s18  }
0x8e: {  	[smem:$0x3FC7] =	sst s2  }
0x8f: {  	_ = 	snop  }
0x90: {  	s2 =	sld [smem:$0x3FC9]  }
0x91: {  	s19 =	sld [smem:$0x3FD0];
	(tm) =	ssettm $0x1  }
0x92: {  	s4 =	sld [smem:$0x3FFB];
	_ =	sdelay $0x3  }
0x93: {  	_ =	strace s4  }
0x94: {  	s4 =	sld [smem:$0x3FFC];
	_ =	sdelay $0x3  }
0x95: {  	_ =	strace s4  }
0x96: {  	s4 =	sld [smem:$0x3FFD];
	_ =	sdelay $0x3  }
0x97: {  	_ =	strace s4  }
0x98: {  	_ =	strace $0x8FFFFFFF  }
0x99: {  	s20 =	sld [smem:$0x3FDB];
	_ =	sdelay $0x1  }
0x9a: {  	s5 =	simm.s32 $_scs_section_size  }
0x9b: {  	s6 =	simm.s32 $_size__tile_overlayer_lowered;
	s7 =	simm.s32 $_tile_overlayer_lowered  }
0x9c: {  	s23 =	simm.s32 $0x1BFF;
	s22 =	sshll.u32 s7, $0x1;
	s4 =	sadd.s32 s5, s20  }
0x9d: {  	s8 =	simm.s32 $0x0;
	s21 =	sshll.u32 s6, $0x1;
	s6 =	sadd.s32 s22, s4  }
0x9e: {  	[timem:s8], [sflag:s23] =	dma.local [hbm:s6], s21  }
0x9f: {  	_ =	swait.ge [sflag:s23], s21  }
0xa0: {  	s5 =	ssub.s32 $0x0, s21;
	[sflag:s23] =	ssyncset.done $0x0  }
0xa1: {  	[sflag:s23] =	ssyncadd.s32 s5;
	_ =	sdelay $0x1  }
0xa2: {  	s24 =	simm.s32 $0x1B8B  }
0xa3: {  	_ =	swait.ge [sflag:s24], $0x1  }
0xa4: {  	[sflag:s24] =	ssyncset.done $0x0  }
0xa5: {  	s25 =	simm.s32 $0x1B8E;
	[sflag:s24] =	ssyncadd.s32 $0xFFFFFFFF  }
0xa6: {  	s26 =	simm.s32 $execute0_lowered;
	[smem:$0x3FD2] =	sst s25  }
0xa7: {  	s5 =	sshll.u32 s26, $0x1;
	_ =	strace $0x80000046;
	[dreg:$0x1] =	wrdreg $0xFFFFFFFF  }
0xa8: {  	s28 =	simm.s32 $_size_execute0_lowered;
	s4 =	sadd.s32 s4, s5;
	[dreg:$0x0] =	wrdreg $0x0  }
0xa9: {  	s5 =	sshll.u32 s28, $0x1;
	[dreg:$0x2] =	wrdreg s4  }
0xaa: {  	[dreg:$0x3] =	wrdreg s5  }
0xab: {  	[dreg:$0x4] =	wrdreg $0xC0  }
0xac: {  	_ =	task [dreg:s8], $0x5FFFF  }
0xad: {  	[dreg:$0x1] =	wrdreg $0xFFFFFFFF  }
0xae: {  	[dreg:$0x0] =	wrdreg $0x60  }
0xaf: {  	[dreg:$0x2] =	wrdreg s2  }
0xb0: {  	[dreg:$0x3] =	wrdreg s19  }
0xb1: {  	[dreg:$0x4] =	wrdreg $0x64000  }
0xb2: {  	[dreg:$0x5] =	wrdreg $0x9  }
0xb3: {  	_ =	task.clear_ibuf [dreg:s8], $0x6FFFF;
	_ =	strace $0x90000046  }
0xb4: {  	s29 =	simm.s32 $0x9;
	_ =	strace $0x80000048  }
0xb5: {  	_ =	swait.ge [sflag:s29], $0x1  }
0xb6: {  	[sflag:s29] =	ssyncadd.s32 $0xFFFFFFFF  }
0xb7: {  	_ =	strace $0x90000048  }
0xb8: {  	_ =	sfence  }
0xb9: {  	s30 =	sld [smem:$0x0];
	_ =	sdelay $0x2  }
0xba: {  	s31 =	sshll.u32 s1, $0xD;
	s1 =	sshrl.u32 s1, $0x2  }
0xbb: {  	s3 =	sand.u32 $0x4000, s31;
	s1 =	sadd.s32 s1, s30  }
0xbc: {  	s0 =	sor.u32 s3, s0;
	s1 =	sshll.u32 s1, $0x11  }
0xbd: {  	s0 =	sor.u32 s1, s0  }
0xbe: {  	s0 =	sadd.s32 $0x8F2B, s0  }
0xbf: {  	[sflag:s0] =	ssyncadd.remote.s32 $0x1  }
0xc0: {  	_ =	sfence.sel $0xFFFF  }
0xc1: {  	[dreg:$0x0] =	wrdreg $0xFFFFFFFF;
	(pc) =	sbr.abs _section_cstart, $3  }
0xc2: {  	[dreg:$0x1] =	wrdreg $0xFFFFFFFF  }
0xc3: {  	_ =	task.clear_ibuf [dreg:s8], $0x2FFFF;
	_ =	strace $0x9FFFFFFF  }
0xc4: {  	(tm) =	ssettm $0x7FFFFFFF  }
0xc5: {  	_ =	shalt  }
tec
execute0_lowered:
.L_overlay_start_1:
0x0: {  	(tag) =	ssettag $0x1  }
0x1: {  	s1 =	rddreg [dreg:$0x0]  }
0x2: {  	s0 =	rddreg [dreg:$0x1]  }
0x3: {  	s2 =	rddreg [dreg:$0x2]  }
0x4: {  	s4 =	srdreg.scid;
	s3 =	stileid.u32;
	s28 =	simm.s32 $0x2  }
0x5: {  	s29 =	simm.s32 $0x0;
	s8 =	sand.u32 $0x1, s4;
	s4 =	simm.s32 $0x0  }
0x6: {  	s6 =	sshll.u32 s3, $0x1;
	s19 =	sadd.s32 $0x6400, s2;
	s20 =	sadd.s32 $0xC800, s2  }
0x7: {  	s21 =	sadd.s32 $0x12C00, s2;
	s22 =	sadd.s32 $0x19000, s2;
	s15 =	smul.u32 $0x514000, s3  }
0x8: {  	s23 =	sadd.s32 $0x1F400, s2;
	s24 =	sadd.s32 $0x25800, s2;
	s25 =	sadd.s32 $0x2BC00, s2  }
0x9: {  	s12 =	smul.u32 $0xA2800, s3;
	p0 =	sne.s32 s3, $0x0;
	s5 =	ssub.s32 $0x2, s8  }
0xa: {  	[smem:$0x7FF] =	sst s4;
	s6 =	sor.u32 s8, s6;
	s11 =	smul.u32 $0x28A000, s8  }
0xb: {  	s16 =	smul.u32 $0x51400, s8;
	s19 =	sshrl.u32 @!p0 s19, $0x3;
	s20 =	sshrl.u32 @!p0 s20, $0x3  }
0xc: {  	s21 =	sshrl.u32 @!p0 s21, $0x3;
	s22 =	sshrl.u32 @!p0 s22, $0x3;
	s23 =	sshrl.u32 @!p0 s23, $0x3  }
0xd: {  	s24 =	sshrl.u32 @!p0 s24, $0x3;
	s25 =	sshrl.u32 @!p0 s25, $0x3;
	s14 =	smul.u32 $0x96000, s6  }
0xe: {  	s7 =	sshrl.u32 s5, $0x1;
	_ =	strace $0x80000047;
	s17 =	sadd.s32 s12, s0  }
0xf: {  	s9 =	ssub.s32 s5, s7;
	s5 =	sshrl.u32 s14, $0x3;
	s14 =	sadd.s32 s11, s15  }
0x10: {  	s8 =	smax.u32 s9, $0x1;
	s9 =	sadd.s32 s16, s17;
	s10 =	sadd.s32 s0, s5  }
0x11: {  	s11 =	sadd.s32 $0x2BC00, s14;
	s18 =	sadd.s32 $0x25800, s14;
	s26 =	sadd.s32 $0x1F400, s14  }
0x12: {  	s13 =	sadd.s32 $0x19000, s14;
	s15 =	sadd.s32 $0x12C00, s14;
	s16 =	sadd.s32 $0xC800, s14  }
0x13: {  	s17 =	sadd.s32 $0x6400, s14;
	s5 =	sadd.s32 $0xA28000, s10;
	s6 =	sadd.s32 $0xA2E400, s10  }
0x14: {  	s7 =	sadd.s32 $0xA34800, s10;
	s11 =	sshrl.u32 s11, $0x3;
	s12 =	sshrl.u32 s26, $0x3  }
0x15: {  	s13 =	sshrl.u32 s13, $0x3;
	s15 =	sshrl.u32 s15, $0x3;
	s30 =	sshrl.u32 s16, $0x3  }
0x16: {  	s31 =	sshrl.u32 s17, $0x3;
	s17 =	simm.s32 $0x3;
	s26 =	simm.s32 $0x1  }
0x17: {  	s10 =	sadd.s32 s11, s0;
	s11 =	sshrl.u32 s18, $0x3;
	s12 =	sadd.s32 s12, s0  }
0x18: {  	s13 =	sadd.s32 s13, s0;
	s14 =	sadd.s32 s15, s0;
	s15 =	sadd.s32 s30, s0  }
0x19: {  	s16 =	sadd.s32 s31, s0;
	s18 =	sshrl.u32 @!p0 s2, $0x3;
	s11 =	sadd.s32 s11, s0  }
.LBB2_1:
0x1a: {  	[tilespmem:s4], [sflag:$0x3] =	stream.linear.gather [hbm4b:s1+s4], $0x6400, $0x38;
	[tilespmem:$0x9600] =	vst v63  }
0x1b: {  	_ =	swait.ge [sflag:s17], $0x6400  }
0x1c: {  	[sflag:s17] =	ssyncset.done $0x0  }
0x1d: {  	s0 =	simm.s32 @!p0 $0x1C02;
	[sflag:s17] =	ssyncadd.s32 $0xFFFF9C00  }
0x1e: {  	[spmem:s18], [sflag:s0] =	dma.local @!p0 [hbm:s1], $0xC80  }
0x1f: {  	[spmem:s19], [sflag:s0] =	dma.local @!p0 [hbm:s1], $0xC80  }
0x20: {  	[spmem:s20], [sflag:s0] =	dma.local @!p0 [hbm:s1], $0xC80  }
0x21: {  	[spmem:s21], [sflag:s0] =	dma.local @!p0 [hbm:s1], $0xC80  }
0x22: {  	[spmem:s22], [sflag:s0] =	dma.local @!p0 [hbm:s1], $0xC80  }
0x23: {  	[spmem:s23], [sflag:s0] =	dma.local @!p0 [hbm:s1], $0xC80  }
0x24: {  	[spmem:s24], [sflag:s0] =	dma.local @!p0 [hbm:s1], $0xC80  }
0x25: {  	[spmem:s25], [sflag:s0] =	dma.local @!p0 [hbm:s1], $0xC80  }
0x26: {  	s0 =	simm.s32 @!p0 $0x2  }
0x27: {  	_ =	swait.ge @!p0 [sflag:s0], $0xC80  }
0x28: {  	[sflag:s0] =	ssyncset.done @!p0 $0x0  }
0x29: {  	[sflag:s0] =	ssyncadd.s32 @!p0 $0xFFFFF380  }
0x2a: {  	_ =	swait.ge @!p0 [sflag:s0], $0xC80  }
0x2b: {  	[sflag:s0] =	ssyncset.done @!p0 $0x0  }
0x2c: {  	[sflag:s0] =	ssyncadd.s32 @!p0 $0xFFFFF380  }
0x2d: {  	_ =	swait.ge @!p0 [sflag:s0], $0xC80  }
0x2e: {  	[sflag:s0] =	ssyncset.done @!p0 $0x0  }
0x2f: {  	[sflag:s0] =	ssyncadd.s32 @!p0 $0xFFFFF380  }
0x30: {  	_ =	swait.ge @!p0 [sflag:s0], $0xC80  }
0x31: {  	[sflag:s0] =	ssyncset.done @!p0 $0x0  }
0x32: {  	[sflag:s0] =	ssyncadd.s32 @!p0 $0xFFFFF380  }
0x33: {  	_ =	swait.ge @!p0 [sflag:s0], $0xC80  }
0x34: {  	[sflag:s0] =	ssyncset.done @!p0 $0x0  }
0x35: {  	[sflag:s0] =	ssyncadd.s32 @!p0 $0xFFFFF380  }
0x36: {  	_ =	swait.ge @!p0 [sflag:s0], $0xC80  }
0x37: {  	[sflag:s0] =	ssyncset.done @!p0 $0x0  }
0x38: {  	[sflag:s0] =	ssyncadd.s32 @!p0 $0xFFFFF380  }
0x39: {  	_ =	swait.ge @!p0 [sflag:s0], $0xC80  }
0x3a: {  	[sflag:s0] =	ssyncset.done @!p0 $0x0  }
0x3b: {  	[sflag:s0] =	ssyncadd.s32 @!p0 $0xFFFFF380  }
0x3c: {  	_ =	swait.ge @!p0 [sflag:s0], $0xC80  }
0x3d: {  	[sflag:s0] =	ssyncset.done @!p0 $0x0  }
0x3e: {  	[sflag:s0] =	ssyncadd.s32 @!p0 $0xFFFFF380  }
0x3f: {  	s3 =	stileid.u32;
	[bflag:$0x0] =	sbarrier.arrive $0xFFFF  }
0x40: {  	s0 =	sshll.u32 s3, $0x6;
	s2 =	rddreg [dreg:$0x2]  }
0x41: {  	s0 =	sor.u32 $0x1C02, s0;
	s30 =	sshrl.u32 s2, $0x3;
	s2 =	sadd.s32 $0x0, s9  }
0x42: {  	[hbm:s5], [sflag:s0] =	dma.local [spmem:s30], $0x6400  }
0x43: {  	[hbm:s6], [sflag:s0] =	dma.local [spmem:s30], $0x6400  }
0x44: {  	[hbm:s7], [sflag:s0] =	dma.local [spmem:s30], $0x6400  }
0x45: {  	[hbm4b:s2+s4] =	stream.linear.scatter [tilespmem:s4], [sflag:$0x1], $0x6400, $0x38;
	[tilespmem:$0x9600] =	vst v63  }
0x46: {  	s3 =	sadd.s32 $0x0, s16  }
0x47: {  	[hbm4b:s3+s4] =	stream.linear.scatter [tilespmem:s4], [sflag:$0x1], $0x6400, $0x38;
	[tilespmem:$0x9600] =	vst v63  }
0x48: {  	s2 =	sadd.s32 $0x0, s15  }
0x49: {  	[hbm4b:s2+s4] =	stream.linear.scatter [tilespmem:s4], [sflag:$0x1], $0x6400, $0x38;
	[tilespmem:$0x9600] =	vst v63  }
0x4a: {  	s3 =	sadd.s32 $0x0, s14  }
0x4b: {  	[hbm4b:s3+s4] =	stream.linear.scatter [tilespmem:s4], [sflag:$0x1], $0x6400, $0x38;
	[tilespmem:$0x9600] =	vst v63  }
0x4c: {  	s2 =	sadd.s32 $0x0, s13  }
0x4d: {  	[hbm4b:s2+s4] =	stream.linear.scatter [tilespmem:s4], [sflag:$0x1], $0x6400, $0x38;
	[tilespmem:$0x9600] =	vst v63  }
0x4e: {  	s3 =	sadd.s32 $0x0, s12  }
0x4f: {  	[hbm4b:s3+s4] =	stream.linear.scatter [tilespmem:s4], [sflag:$0x1], $0x6400, $0x38;
	[tilespmem:$0x9600] =	vst v63  }
0x50: {  	s2 =	sadd.s32 $0x0, s11  }
0x51: {  	[hbm4b:s2+s4] =	stream.linear.scatter [tilespmem:s4], [sflag:$0x1], $0x6400, $0x38;
	[tilespmem:$0x9600] =	vst v63  }
0x52: {  	s3 =	sadd.s32 $0x0, s10  }
0x53: {  	[hbm4b:s3+s4] =	stream.linear.scatter [tilespmem:s4], [sflag:$0x1], $0x6400, $0x38;
	[tilespmem:$0x9600] =	vst v63  }
0x54: {  	_ =	swait.ge [sflag:s26], $0x6400  }
0x55: {  	[sflag:s26] =	ssyncset.done $0x0  }
0x56: {  	[sflag:s26] =	ssyncadd.s32 $0xFFFF9C00  }
0x57: {  	_ =	swait.ge [sflag:s26], $0x6400  }
0x58: {  	[sflag:s26] =	ssyncset.done $0x0  }
0x59: {  	[sflag:s26] =	ssyncadd.s32 $0xFFFF9C00  }
0x5a: {  	_ =	swait.ge [sflag:s26], $0x6400  }
0x5b: {  	[sflag:s26] =	ssyncset.done $0x0  }
0x5c: {  	[sflag:s26] =	ssyncadd.s32 $0xFFFF9C00  }
0x5d: {  	_ =	swait.ge [sflag:s26], $0x6400  }
0x5e: {  	[sflag:s26] =	ssyncset.done $0x0  }
0x5f: {  	[sflag:s26] =	ssyncadd.s32 $0xFFFF9C00  }
0x60: {  	_ =	swait.ge [sflag:s26], $0x6400  }
0x61: {  	[sflag:s26] =	ssyncset.done $0x0  }
0x62: {  	[sflag:s26] =	ssyncadd.s32 $0xFFFF9C00  }
0x63: {  	_ =	swait.ge [sflag:s26], $0x6400  }
0x64: {  	[sflag:s26] =	ssyncset.done $0x0  }
0x65: {  	[sflag:s26] =	ssyncadd.s32 $0xFFFF9C00  }
0x66: {  	_ =	swait.ge [sflag:s26], $0x6400  }
0x67: {  	[sflag:s26] =	ssyncset.done $0x0  }
0x68: {  	[sflag:s26] =	ssyncadd.s32 $0xFFFF9C00  }
0x69: {  	_ =	swait.ge [sflag:s26], $0x6400  }
0x6a: {  	s31 =	simm.s32 $0xC800;
	s30 =	simm.s32 $0x6400;
	[sflag:s26] =	ssyncset.done $0x0  }
.LBB2_2:
0x6b: {  	s3 =	sadd.s32 s30, s9  }
0x6c: {  	[sflag:s26] =	ssyncadd.s32 $0xFFFF9C00;
	s2 =	smov.u32 s31;
	s0 =	sadd.s32 $0x6400, s31  }
0x6d: {  	[hbm4b:s3+s4] =	stream.linear.scatter [tilespmem:s4], [sflag:$0x1], $0x6400, $0x38;
	[tilespmem:$0x9600] =	vst v63  }
0x6e: {  	p1 =	sne.s32 s31, $0x4B000;
	s3 =	sadd.s32 s30, s16  }
0x6f: {  	[hbm4b:s3+s4] =	stream.linear.scatter [tilespmem:s4], [sflag:$0x1], $0x6400, $0x38;
	[tilespmem:$0x9600] =	vst v63  }
0x70: {  	s3 =	sadd.s32 s30, s15  }
0x71: {  	[hbm4b:s3+s4] =	stream.linear.scatter [tilespmem:s4], [sflag:$0x1], $0x6400, $0x38;
	[tilespmem:$0x9600] =	vst v63  }
0x72: {  	s3 =	sadd.s32 s30, s14  }
0x73: {  	[hbm4b:s3+s4] =	stream.linear.scatter [tilespmem:s4], [sflag:$0x1], $0x6400, $0x38;
	[tilespmem:$0x9600] =	vst v63  }
0x74: {  	s3 =	sadd.s32 s30, s13  }
0x75: {  	[hbm4b:s3+s4] =	stream.linear.scatter [tilespmem:s4], [sflag:$0x1], $0x6400, $0x38;
	[tilespmem:$0x9600] =	vst v63  }
0x76: {  	s3 =	sadd.s32 s30, s12  }
0x77: {  	[hbm4b:s3+s4] =	stream.linear.scatter [tilespmem:s4], [sflag:$0x1], $0x6400, $0x38;
	[tilespmem:$0x9600] =	vst v63  }
0x78: {  	s3 =	sadd.s32 s30, s11  }
0x79: {  	[hbm4b:s3+s4] =	stream.linear.scatter [tilespmem:s4], [sflag:$0x1], $0x6400, $0x38;
	[tilespmem:$0x9600] =	vst v63  }
0x7a: {  	s3 =	sadd.s32 s30, s10;
	s30 =	smov.u32 s2  }
0x7b: {  	[hbm4b:s3+s4] =	stream.linear.scatter [tilespmem:s4], [sflag:$0x1], $0x6400, $0x38;
	[tilespmem:$0x9600] =	vst v63  }
0x7c: {  	_ =	swait.ge [sflag:s26], $0x6400  }
0x7d: {  	[sflag:s26] =	ssyncset.done $0x0  }
0x7e: {  	[sflag:s26] =	ssyncadd.s32 $0xFFFF9C00  }
0x7f: {  	_ =	swait.ge [sflag:s26], $0x6400  }
0x80: {  	[sflag:s26] =	ssyncset.done $0x0  }
0x81: {  	[sflag:s26] =	ssyncadd.s32 $0xFFFF9C00  }
0x82: {  	_ =	swait.ge [sflag:s26], $0x6400  }
0x83: {  	[sflag:s26] =	ssyncset.done $0x0  }
0x84: {  	[sflag:s26] =	ssyncadd.s32 $0xFFFF9C00  }
0x85: {  	_ =	swait.ge [sflag:s26], $0x6400  }
0x86: {  	[sflag:s26] =	ssyncset.done $0x0  }
0x87: {  	[sflag:s26] =	ssyncadd.s32 $0xFFFF9C00  }
0x88: {  	_ =	swait.ge [sflag:s26], $0x6400  }
0x89: {  	[sflag:s26] =	ssyncset.done $0x0  }
0x8a: {  	[sflag:s26] =	ssyncadd.s32 $0xFFFF9C00  }
0x8b: {  	_ =	swait.ge [sflag:s26], $0x6400  }
0x8c: {  	[sflag:s26] =	ssyncset.done $0x0  }
0x8d: {  	[sflag:s26] =	ssyncadd.s32 $0xFFFF9C00  }
.Ltmp0:
0x8e: {  	_ =	swait.ge [sflag:s26], $0x6400;
	(pc) =	sbr.rel @p1 .LBB2_2-.Ltmp0, $4  }
0x8f: {  	[sflag:s26] =	ssyncset.done $0x0  }
0x90: {  	[sflag:s26] =	ssyncadd.s32 $0xFFFF9C00  }
0x91: {  	_ =	swait.ge [sflag:s26], $0x6400  }
0x92: {  	s31 =	smov.u32 s0;
	[sflag:s26] =	ssyncset.done $0x0  }
0x93: {  	s0 =	sadd.s32 s30, s9;
	[sflag:s26] =	ssyncadd.s32 $0xFFFF9C00  }
0x94: {  	[hbm4b:s0+s4] =	stream.linear.scatter [tilespmem:s4], [sflag:$0x1], $0x6400, $0x38;
	[tilespmem:$0x9600] =	vst v63  }
0x95: {  	s31 =	sadd.s32 s30, s16  }
0x96: {  	[hbm4b:s31+s4] =	stream.linear.scatter [tilespmem:s4], [sflag:$0x1], $0x6400, $0x38;
	[tilespmem:$0x9600] =	vst v63  }
0x97: {  	s2 =	sadd.s32 s30, s15  }
0x98: {  	[hbm4b:s2+s4] =	stream.linear.scatter [tilespmem:s4], [sflag:$0x1], $0x6400, $0x38;
	[tilespmem:$0x9600] =	vst v63  }
0x99: {  	s3 =	sadd.s32 s30, s14  }
0x9a: {  	[hbm4b:s3+s4] =	stream.linear.scatter [tilespmem:s4], [sflag:$0x1], $0x6400, $0x38;
	[tilespmem:$0x9600] =	vst v63  }
0x9b: {  	s31 =	sadd.s32 s30, s13  }
0x9c: {  	[hbm4b:s31+s4] =	stream.linear.scatter [tilespmem:s4], [sflag:$0x1], $0x6400, $0x38;
	[tilespmem:$0x9600] =	vst v63  }
0x9d: {  	s2 =	sadd.s32 s30, s12  }
0x9e: {  	[hbm4b:s2+s4] =	stream.linear.scatter [tilespmem:s4], [sflag:$0x1], $0x6400, $0x38;
	[tilespmem:$0x9600] =	vst v63  }
0x9f: {  	s3 =	sadd.s32 s30, s11  }
0xa0: {  	[hbm4b:s3+s4] =	stream.linear.scatter [tilespmem:s4], [sflag:$0x1], $0x6400, $0x38;
	[tilespmem:$0x9600] =	vst v63  }
0xa1: {  	s31 =	sadd.s32 s30, s10  }
0xa2: {  	[hbm4b:s31+s4] =	stream.linear.scatter [tilespmem:s4], [sflag:$0x1], $0x6400, $0x38;
	[tilespmem:$0x9600] =	vst v63  }
0xa3: {  	_ =	swait.ge [sflag:s26], $0x6400  }
0xa4: {  	[sflag:s26] =	ssyncset.done $0x0  }
0xa5: {  	[sflag:s26] =	ssyncadd.s32 $0xFFFF9C00  }
0xa6: {  	_ =	swait.ge [sflag:s26], $0x6400  }
0xa7: {  	[sflag:s26] =	ssyncset.done $0x0  }
0xa8: {  	[sflag:s26] =	ssyncadd.s32 $0xFFFF9C00  }
0xa9: {  	_ =	swait.ge [sflag:s26], $0x6400  }
0xaa: {  	[sflag:s26] =	ssyncset.done $0x0  }
0xab: {  	[sflag:s26] =	ssyncadd.s32 $0xFFFF9C00  }
0xac: {  	_ =	swait.ge [sflag:s26], $0x6400  }
0xad: {  	[sflag:s26] =	ssyncset.done $0x0  }
0xae: {  	[sflag:s26] =	ssyncadd.s32 $0xFFFF9C00  }
0xaf: {  	_ =	swait.ge [sflag:s26], $0x6400  }
0xb0: {  	[sflag:s26] =	ssyncset.done $0x0  }
0xb1: {  	[sflag:s26] =	ssyncadd.s32 $0xFFFF9C00  }
0xb2: {  	_ =	swait.ge [sflag:s26], $0x6400  }
0xb3: {  	[sflag:s26] =	ssyncset.done $0x0  }
0xb4: {  	[sflag:s26] =	ssyncadd.s32 $0xFFFF9C00  }
0xb5: {  	_ =	swait.ge [sflag:s26], $0x6400  }
0xb6: {  	[sflag:s26] =	ssyncset.done $0x0  }
0xb7: {  	[sflag:s26] =	ssyncadd.s32 $0xFFFF9C00  }
0xb8: {  	_ =	swait.ge [sflag:s26], $0x6400  }
0xb9: {  	[sflag:s26] =	ssyncset.done $0x0  }
0xba: {  	[sflag:s26] =	ssyncadd.s32 $0xFFFF9C00  }
0xbb: {  	_ =	swait.ge [sflag:s28], $0x6400  }
0xbc: {  	[sflag:s28] =	ssyncset.done $0x0  }
0xbd: {  	s29 =	sadd.s32 $0x1, s29;
	[sflag:s28] =	ssyncadd.s32 $0xFFFF9C00  }
0xbe: {  	p1 =	sne.s32 s29, s8;
	_ =	swait.ge [sflag:s28], $0x6400  }
.Ltmp1:
0xbf: {  	[sflag:s28] =	ssyncset.done $0x0;
	(pc) =	sbr.rel @p1 .LBB2_1-.Ltmp1, $4  }
0xc0: {  	[sflag:s28] =	ssyncadd.s32 $0xFFFF9C00  }
0xc1: {  	_ =	swait.ge [sflag:s28], $0x6400  }
0xc2: {  	[sflag:s28] =	ssyncset.done $0x0  }
0xc3: {  	[sflag:s28] =	ssyncadd.s32 $0xFFFF9C00  }
0xc4: {  	_ =	sfence.sel $0x180000  }
0xc5: {  	[bflag:$0x0] =	sbarrier.arrive $0xFFFF  }
0xc6: {  	_ =	strace $0x90000047  }
0xc7: {  	[bflag:$0x2] =	sbarrier.arrive $0xFFFF  }
0xc8: {  	s0 =	rddreg [dreg:$0x3]  }
0xc9: {  	s0 =	sadd.s32 @!p0 $0x100000, s0  }
0xca: {  	[sflag:s0] =	ssyncadd.tile.s32 @!p0 $0x1;
	_ =	shalt  }
.Lfunc_end2:
_tile_overlayer_lowered:
.L_overlay_start_2:
0xcb: {  	(tag) =	ssettag $0x2  }
0xcc: {  	s0 =	rddreg [dreg:$0x0];
	s2 =	stileid.u32  }
0xcd: {  	s1 =	rddreg [dreg:$0x1];
	p0 =	sne.s32 s2, $0x0  }
0xce: {  	s3 =	rddreg [dreg:$0x2];
	[bflag:$0x3] =	sbarrier.arrive $0xFFFF;
	s2 =	simm.s32 @!p0 $0x1C03  }
0xcf: {  	[timem:s3], [sflag:s2] =	dma.local @!p0 [hbm:s0], s1  }
0xd0: {  	s0 =	simm.s32 @!p0 $0x3  }
0xd1: {  	_ =	swait.ge @!p0 [sflag:s0], s1  }
0xd2: {  	s1 =	ssub.s32 @!p0 $0x0, s1;
	[sflag:s0] =	ssyncset.done @!p0 $0x0  }
0xd3: {  	[sflag:s0] =	ssyncadd.s32 @!p0 s1  }
0xd4: {  	[bflag:$0x3] =	sbarrier.arrive $0xFFFF  }
0xd5: {  	_ =	shalt  }

</sc_bundles>
